<compile_context>
chip_gen: v7x
topology: tpu7x:2x2x1
jax: 0.10.2.dev20260603
libtpu: 0.0.44.dev20260713+nightly
codegen_flags: <defaults>
</compile_context>

<pallas_src>
import functools

import jax
import jax.numpy as jnp
from jax import lax
from jax.experimental import pallas as pl
from jax.experimental.pallas import tpu as pltpu
from jax.experimental.pallas import tpu_sc as plsc

_NC = 2
_NS = 16
_NW = _NC * _NS

_EDGE_BLOCK = 16000


_SC_MESH = plsc.VectorSubcoreMesh(core_axis_name="c", subcore_axis_name="s")


def _sc_translate(Z, idx_i, idx_j):
    NE = idx_i.shape[0]
    NN = Z.shape[0]
    e_per = NE // _NW

    @functools.partial(
        pl.kernel,
        mesh=_SC_MESH,
        out_type=[
            jax.ShapeDtypeStruct((NE,), jnp.int32),
            jax.ShapeDtypeStruct((NE,), jnp.int32),
        ],
        scratch_types=[
            pltpu.VMEM((NN,), jnp.int32),
            pltpu.VMEM((e_per,), jnp.int32),
            pltpu.VMEM((e_per,), jnp.int32),
            pltpu.VMEM((e_per,), jnp.int32),
            pltpu.VMEM((e_per,), jnp.int32),
        ],
        compiler_params=pltpu.CompilerParams(needs_layout_passes=False),
    )
    def k(z_hbm, ii_hbm, jj_hbm, zi_hbm, zj_hbm,
          z_v, ii_v, jj_v, zi_v, zj_v):
        wid = lax.axis_index("s") * _NC + lax.axis_index("c")
        ebase = wid * e_per
        pltpu.sync_copy(z_hbm, z_v)
        pltpu.sync_copy(ii_hbm.at[pl.ds(ebase, e_per)], ii_v)
        pltpu.sync_copy(jj_hbm.at[pl.ds(ebase, e_per)], jj_v)

        @plsc.parallel_loop(0, e_per, step=16, unroll=8)
        def _(t):
            s = pl.ds(t, 16)
            zi_v[s] = plsc.load_gather(z_v, [ii_v[s]])
            zj_v[s] = plsc.load_gather(z_v, [jj_v[s]])

        pltpu.sync_copy(zi_v, zi_hbm.at[pl.ds(ebase, e_per)])
        pltpu.sync_copy(zj_v, zj_hbm.at[pl.ds(ebase, e_per)])

    return k(Z, idx_i, idx_j)


def _sc_x0(Z, embeddings, order_dep):
    NN = Z.shape[0]
    D = embeddings.shape[1]
    n_chunk = 320
    n_sub = 80

    @functools.partial(
        pl.kernel,
        mesh=_SC_MESH,
        out_type=jax.ShapeDtypeStruct((NN, D), jnp.float32),
        scratch_types=[
            pltpu.VMEM((n_chunk,), jnp.int32),
            pltpu.VMEM((n_chunk, D), jnp.float32),
            pltpu.VMEM((16,), jnp.int32),
            pltpu.SemaphoreType.DMA,
        ],
        compiler_params=pltpu.CompilerParams(needs_layout_passes=False),
    )
    def k(z_hbm, emb_hbm, dep_hbm, x0_hbm, zc_v, rows_v, dep_v, sem):
        pltpu.sync_copy(dep_hbm.at[pl.ds(0, 16)], dep_v)
        wid = lax.axis_index("s") * _NC + lax.axis_index("c")
        nbase = jnp.minimum(wid * n_chunk, NN - n_chunk)
        pltpu.sync_copy(z_hbm.at[pl.ds(nbase, n_chunk)], zc_v)
        for t in range(n_chunk // n_sub):
            pltpu.async_copy(
                emb_hbm.at[zc_v.at[pl.ds(t * n_sub, n_sub)]],
                rows_v.at[pl.ds(t * n_sub, n_sub)],
                sem,
            ).wait()
        pltpu.sync_copy(rows_v, x0_hbm.at[pl.ds(nbase, n_chunk)])

    return k(Z, embeddings, order_dep)


def _tc_body(zi_ref, zj_ref, rbf_ref, emb_ref, wd_ref, wr_ref, br_ref, bd_ref,
             out_ref, tab_ref, bc_ref):
    B = zi_ref.shape[-1]

    @pl.when(pl.program_id(0) == 0)
    def _():
        emb = emb_ref[0:96, :]
        wd = wd_ref[...]
        tab_ref[0:96, :] = jnp.dot(
            emb, wd[0:128, :],
            preferred_element_type=jnp.float32).astype(jnp.bfloat16)
        tab_ref[96:192, :] = jnp.dot(
            emb, wd[128:256, :],
            preferred_element_type=jnp.float32).astype(jnp.bfloat16)
        wd3 = wd[256:384, :]
        wc = jnp.dot(wr_ref[...], wd3,
                     preferred_element_type=jnp.float32)
        wc_hi = wc.astype(jnp.bfloat16)
        wc_lo = (wc - wc_hi.astype(jnp.float32)).astype(jnp.bfloat16)
        tab_ref[192:208, :] = wc_hi
        tab_ref[208:224, :] = wc_lo
        tab_ref[224:240, :] = wc_hi
        bc_ref[...] = jnp.dot(br_ref[...], wd3,
                              preferred_element_type=jnp.float32) + bd_ref[...]

    zi = zi_ref[...].reshape(1, B)
    zj = zj_ref[...].reshape(1, B)
    zib = zi.astype(jnp.int16)
    zjb = zj.astype(jnp.int16) + jnp.int16(96)
    iot = lax.broadcasted_iota(jnp.int16, (192, B), 0)
    ones = jnp.ones((192, B), jnp.bfloat16)
    zeros = jnp.zeros((192, B), jnp.bfloat16)
    two_hot = jnp.where((iot == zib) | (iot == zjb), ones, zeros)
    rbf = rbf_ref[...]
    r_hi = rbf.astype(jnp.bfloat16)
    r_lo = (rbf - r_hi.astype(jnp.float32)).astype(jnp.bfloat16)
    m = lax.concatenate([two_hot, r_hi, r_hi, r_lo], 0)
    g = lax.dot_general(m, tab_ref[...], (((0,), (0,)), ((), ())),
                        preferred_element_type=jnp.float32)
    out_ref[...] = g + bc_ref[...]


def _tc_fused(zi, zj, rbf_t, emb_pad, W_dense, W_rbf, b_rbf, b_dense):
    n_rbf, NE = rbf_t.shape
    B = _EDGE_BLOCK
    NB = NE // B
    zi2 = zi.reshape(NB, 1, B)
    zj2 = zj.reshape(NB, 1, B)
    return pl.pallas_call(
        _tc_body,
        grid=(NB,),
        in_specs=[
            pl.BlockSpec((1, 1, B), lambda i: (i, 0, 0)),
            pl.BlockSpec((1, 1, B), lambda i: (i, 0, 0)),
            pl.BlockSpec((n_rbf, B), lambda i: (0, i)),
            pl.BlockSpec((128, 128), lambda i: (0, 0)),
            pl.BlockSpec((384, 128), lambda i: (0, 0)),
            pl.BlockSpec((n_rbf, 128), lambda i: (0, 0)),
            pl.BlockSpec((1, 128), lambda i: (0, 0)),
            pl.BlockSpec((1, 128), lambda i: (0, 0)),
        ],
        out_specs=pl.BlockSpec((B, 128), lambda i: (i, 0)),
        out_shape=jax.ShapeDtypeStruct((NE, 128), jnp.float32),
        scratch_shapes=[
            pltpu.VMEM((240, 128), jnp.bfloat16),
            pltpu.VMEM((1, 128), jnp.float32),
        ],
        compiler_params=pltpu.CompilerParams(
            dimension_semantics=("arbitrary",),
        ),
    )(zi2, zj2, rbf_t, emb_pad, W_dense, W_rbf, b_rbf, b_dense)


def kernel(Z, rbf, idx_i, idx_j, embeddings, W_rbf, b_rbf, W_dense, b_dense):
    Z = Z.astype(jnp.int32)
    idx_i = idx_i.astype(jnp.int32)
    idx_j = idx_j.astype(jnp.int32)
    zi, zj = _sc_translate(Z, idx_i, idx_j)
    x0 = _sc_x0(Z, embeddings, zi)
    emb_pad = jnp.pad(embeddings, ((0, 128 - embeddings.shape[0]), (0, 0)))
    x = _tc_fused(zi, zj, rbf.T, emb_pad, W_dense, W_rbf,
                  b_rbf.reshape(1, -1), b_dense.reshape(1, -1))
    return (x, x0)

# --- scband reference (transcript-rebuilt; emitter-appended) ---
"""Pipeline reference for scband-embedding-block-45148696215934 (READ-ONLY COPY).

The authoritative reference and input builder live on the scoring server;
editing this copy changes nothing except your own understanding.
"""

import jax, jax.numpy as jnp
import numpy as np

N_NODES = 10000
N_EDGES = 320000
EMB_SIZE = 128
N_RBF = 16
N_ATOM_TYPES = 95


def _glorot_normal(key, shape):
    fan_in, fan_out = shape[0], shape[1]
    std = np.sqrt(2.0 / (fan_in + fan_out))
    return (jax.random.normal(key, shape, dtype=jnp.float32) * std).astype(jnp.float32)


def setup_inputs(seed: int = 0) -> dict:
    key = jax.random.key(seed)
    ks = jax.random.split(key, 8)
    Z = jax.random.randint(ks[0], (N_NODES,), 0, N_ATOM_TYPES)
    rbf = jax.random.normal(ks[1], (N_EDGES, N_RBF), dtype=jnp.float32)
    idx_i = jax.random.randint(ks[2], (N_EDGES,), 0, N_NODES)
    idx_j = jax.random.randint(ks[3], (N_EDGES,), 0, N_NODES)
    s3 = float(np.sqrt(3.0))
    embeddings = jax.random.uniform(ks[4], (N_ATOM_TYPES, EMB_SIZE), minval=-s3, maxval=s3, dtype=jnp.float32)
    W_rbf = _glorot_normal(ks[5], (N_RBF, EMB_SIZE))
    b_rbf = jnp.zeros((EMB_SIZE,), dtype=jnp.float32)
    W_dense = _glorot_normal(ks[6], (3 * EMB_SIZE, EMB_SIZE))
    b_dense = jnp.zeros((EMB_SIZE,), dtype=jnp.float32)
    return {"Z": Z, "rbf": rbf, "idx_i": idx_i, "idx_j": idx_j,
            "embeddings": embeddings, "W_rbf": W_rbf, "b_rbf": b_rbf,
            "W_dense": W_dense, "b_dense": b_dense}


def reference(Z, rbf, idx_i, idx_j, embeddings, W_rbf, b_rbf, W_dense, b_dense):
    # dense_rbf (activation=None)
    rbf_p = rbf @ W_rbf + b_rbf
    # gather atomic numbers per edge endpoint
    Z_i = jnp.take(Z, idx_i, axis=0)
    Z_j = jnp.take(Z, idx_j, axis=0)
    # embedding lookups
    x_i = jnp.take(embeddings, Z_i, axis=0)
    x_j = jnp.take(embeddings, Z_j, axis=0)
    x_0 = jnp.take(embeddings, Z, axis=0)
    # concat + dense (activation=None)
    x = jnp.concatenate([x_i, x_j, rbf_p], axis=-1)
    x = x @ W_dense + b_dense
    return (x, x_0)

if __name__ == "__main__":
    import jax
    _d = setup_inputs()
    print(jax.jit(kernel)(*tuple(_d.values())))

</pallas_src>

<mosaic_0001>
#map = affine_map<(d0, d1) -> (0)>
#map1 = affine_map<(d0, d1) -> (0, 0)>
module attributes {stable_mosaic.version = 14 : i64} {
  func.func @k(%arg0: i32, %arg1: i32, %arg2: memref<10000xi32, #tpu.memory_space<hbm>>, %arg3: memref<95x128xf32, #tpu.memory_space<hbm>>, %arg4: memref<320000xi32, #tpu.memory_space<hbm>>, %arg5: memref<10000x128xf32, #tpu.memory_space<hbm>>, %arg6: memref<320xi32, #tpu.memory_space<vmem>>, %arg7: memref<320x128xf32, #tpu.memory_space<vmem>>, %arg8: memref<16xi32, #tpu.memory_space<vmem>>, %arg9: memref<!tpu.dma_semaphore, #tpu.memory_space<semaphore_mem>>) attributes {dimension_semantics = [#tpu.dimension_semantics<core_parallel>, #tpu.dimension_semantics<subcore_parallel>], iteration_bounds = array<i64: 2, 16>, scalar_prefetch = 0 : i64, scratch_operands = 4 : i64, tpu.core_type = #tpu.core_type<sc_vector_subcore>, window_params = [{transform_indices = #map}, {transform_indices = #map1}, {transform_indices = #map}, {transform_indices = #map1}]} {
    "tpu.region"() ({
      %run_scoped3A = tpu.sem_alloc : memref<!tpu.dma_semaphore, #tpu.memory_space<semaphore_mem>>
      %dma_start3A_66 = arith.constant 0 : i32
      %dma_start3A_67 = tpu.memref_slice %arg4[%dma_start3A_66] : memref<320000xi32, #tpu.memory_space<hbm>> -> memref<16xi32, #tpu.memory_space<hbm>>
      %dma_start3A_68 = arith.constant 0 : i32
      %dma_start3A_69 = tpu.memref_slice %arg4[%dma_start3A_68] : memref<320000xi32, #tpu.memory_space<hbm>> -> memref<16xi32, #tpu.memory_space<hbm>>
      tpu.enqueue_dma source(%dma_start3A_69 : memref<16xi32, #tpu.memory_space<hbm>>) target(%arg8 : memref<16xi32, #tpu.memory_space<vmem>>) target_semaphore(%run_scoped3A : memref<!tpu.dma_semaphore, #tpu.memory_space<semaphore_mem>>)
      %dma_wait3A_70 = arith.constant 0 : i32
      %dma_wait3A_71 = tpu.memref_slice %arg4[%dma_wait3A_70] : memref<320000xi32, #tpu.memory_space<hbm>> -> memref<16xi32, #tpu.memory_space<hbm>>
      %dma_wait3A_72 = arith.constant 0 : i32
      %dma_wait3A_73 = tpu.memref_slice %arg4[%dma_wait3A_72] : memref<320000xi32, #tpu.memory_space<hbm>> -> memref<16xi32, #tpu.memory_space<hbm>>
      tpu.wait_dma2 semaphore(%run_scoped3A : memref<!tpu.dma_semaphore, #tpu.memory_space<semaphore_mem>>) src(%dma_wait3A_73 : memref<16xi32, #tpu.memory_space<hbm>>) dst(%arg8 : memref<16xi32, #tpu.memory_space<vmem>>)
      tpu.yield
    }) : () -> ()
    %mul3A = arith.constant 2 : i32
    %mul3A_0 = arith.muli %arg1, %mul3A : i32
    %add3A = arith.addi %mul3A_0, %arg0 : i32
    %mul3A_1 = arith.constant 320 : i32
    %mul3A_2 = arith.muli %add3A, %mul3A_1 : i32
    %min3A = arith.constant 9680 : i32
    %min3A_3 = arith.minsi %mul3A_2, %min3A : i32
    "tpu.region"() ({
      %run_scoped3A = tpu.sem_alloc : memref<!tpu.dma_semaphore, #tpu.memory_space<semaphore_mem>>
      %dma_start3A_66 = tpu.memref_slice %arg2[%min3A_3] : memref<10000xi32, #tpu.memory_space<hbm>> -> memref<320xi32, #tpu.memory_space<hbm>>
      %dma_start3A_67 = tpu.memref_slice %arg2[%min3A_3] : memref<10000xi32, #tpu.memory_space<hbm>> -> memref<320xi32, #tpu.memory_space<hbm>>
      tpu.enqueue_dma source(%dma_start3A_67 : memref<320xi32, #tpu.memory_space<hbm>>) target(%arg6 : memref<320xi32, #tpu.memory_space<vmem>>) target_semaphore(%run_scoped3A : memref<!tpu.dma_semaphore, #tpu.memory_space<semaphore_mem>>)
      %dma_wait3A_68 = tpu.memref_slice %arg2[%min3A_3] : memref<10000xi32, #tpu.memory_space<hbm>> -> memref<320xi32, #tpu.memory_space<hbm>>
      %dma_wait3A_69 = tpu.memref_slice %arg2[%min3A_3] : memref<10000xi32, #tpu.memory_space<hbm>> -> memref<320xi32, #tpu.memory_space<hbm>>
      tpu.wait_dma2 semaphore(%run_scoped3A : memref<!tpu.dma_semaphore, #tpu.memory_space<semaphore_mem>>) src(%dma_wait3A_69 : memref<320xi32, #tpu.memory_space<hbm>>) dst(%arg6 : memref<320xi32, #tpu.memory_space<vmem>>)
      tpu.yield
    }) : () -> ()
    %dma_start3A = arith.constant 0 : i32
    %dma_start3A_4 = arith.constant 0 : i32
    %dma_start3A_5 = tpu.memref_slice %arg7[%dma_start3A, %dma_start3A_4] : memref<320x128xf32, #tpu.memory_space<vmem>> -> memref<80x128xf32, #tpu.memory_space<vmem>>
    %dma_start3A_6 = arith.constant 0 : i32
    %dma_start3A_7 = tpu.memref_slice %arg6[%dma_start3A_6] : memref<320xi32, #tpu.memory_space<vmem>> -> memref<80xi32, #tpu.memory_space<vmem>>
    %dma_start3A_8 = arith.constant 0 : i32
    %dma_start3A_9 = arith.constant 0 : i32
    %dma_start3A_10 = tpu.memref_slice %arg3[%dma_start3A_8, %dma_start3A_9] : memref<95x128xf32, #tpu.memory_space<hbm>> -> memref<95x128xf32, #tpu.memory_space<hbm>>
    tpu.enqueue_indirect_dma source(%dma_start3A_10 : memref<95x128xf32, #tpu.memory_space<hbm>>) target(%dma_start3A_5 : memref<80x128xf32, #tpu.memory_space<vmem>>) offsets(%dma_start3A_7 : memref<80xi32, #tpu.memory_space<vmem>>) semaphore(%arg9 : memref<!tpu.dma_semaphore, #tpu.memory_space<semaphore_mem>>)
    %dma_wait3A = arith.constant 0 : i32
    %dma_wait3A_11 = arith.constant 0 : i32
    %dma_wait3A_12 = tpu.memref_slice %arg7[%dma_wait3A, %dma_wait3A_11] : memref<320x128xf32, #tpu.memory_space<vmem>> -> memref<80x128xf32, #tpu.memory_space<vmem>>
    %dma_wait3A_13 = arith.constant 0 : i32
    %dma_wait3A_14 = tpu.memref_slice %arg6[%dma_wait3A_13] : memref<320xi32, #tpu.memory_space<vmem>> -> memref<80xi32, #tpu.memory_space<vmem>>
    %dma_wait3A_15 = arith.constant 0 : i32
    %dma_wait3A_16 = arith.constant 0 : i32
    %dma_wait3A_17 = tpu.memref_slice %arg3[%dma_wait3A_15, %dma_wait3A_16] : memref<95x128xf32, #tpu.memory_space<hbm>> -> memref<95x128xf32, #tpu.memory_space<hbm>>
    tpu.wait_indirect_dma semaphore(%arg9 : memref<!tpu.dma_semaphore, #tpu.memory_space<semaphore_mem>>) src(%dma_wait3A_17 : memref<95x128xf32, #tpu.memory_space<hbm>>) dst(%dma_wait3A_12 : memref<80x128xf32, #tpu.memory_space<vmem>>)
    %dma_start3A_18 = arith.constant 80 : i32
    %dma_start3A_19 = arith.constant 0 : i32
    %dma_start3A_20 = tpu.memref_slice %arg7[%dma_start3A_18, %dma_start3A_19] : memref<320x128xf32, #tpu.memory_space<vmem>> -> memref<80x128xf32, #tpu.memory_space<vmem>>
    %dma_start3A_21 = arith.constant 80 : i32
    %dma_start3A_22 = tpu.memref_slice %arg6[%dma_start3A_21] : memref<320xi32, #tpu.memory_space<vmem>> -> memref<80xi32, #tpu.memory_space<vmem>>
    %dma_start3A_23 = arith.constant 0 : i32
    %dma_start3A_24 = arith.constant 0 : i32
    %dma_start3A_25 = tpu.memref_slice %arg3[%dma_start3A_23, %dma_start3A_24] : memref<95x128xf32, #tpu.memory_space<hbm>> -> memref<95x128xf32, #tpu.memory_space<hbm>>
    tpu.enqueue_indirect_dma source(%dma_start3A_25 : memref<95x128xf32, #tpu.memory_space<hbm>>) target(%dma_start3A_20 : memref<80x128xf32, #tpu.memory_space<vmem>>) offsets(%dma_start3A_22 : memref<80xi32, #tpu.memory_space<vmem>>) semaphore(%arg9 : memref<!tpu.dma_semaphore, #tpu.memory_space<semaphore_mem>>)
    %dma_wait3A_26 = arith.constant 80 : i32
    %dma_wait3A_27 = arith.constant 0 : i32
    %dma_wait3A_28 = tpu.memref_slice %arg7[%dma_wait3A_26, %dma_wait3A_27] : memref<320x128xf32, #tpu.memory_space<vmem>> -> memref<80x128xf32, #tpu.memory_space<vmem>>
    %dma_wait3A_29 = arith.constant 80 : i32
    %dma_wait3A_30 = tpu.memref_slice %arg6[%dma_wait3A_29] : memref<320xi32, #tpu.memory_space<vmem>> -> memref<80xi32, #tpu.memory_space<vmem>>
    %dma_wait3A_31 = arith.constant 0 : i32
    %dma_wait3A_32 = arith.constant 0 : i32
    %dma_wait3A_33 = tpu.memref_slice %arg3[%dma_wait3A_31, %dma_wait3A_32] : memref<95x128xf32, #tpu.memory_space<hbm>> -> memref<95x128xf32, #tpu.memory_space<hbm>>
    tpu.wait_indirect_dma semaphore(%arg9 : memref<!tpu.dma_semaphore, #tpu.memory_space<semaphore_mem>>) src(%dma_wait3A_33 : memref<95x128xf32, #tpu.memory_space<hbm>>) dst(%dma_wait3A_28 : memref<80x128xf32, #tpu.memory_space<vmem>>)
    %dma_start3A_34 = arith.constant 160 : i32
    %dma_start3A_35 = arith.constant 0 : i32
    %dma_start3A_36 = tpu.memref_slice %arg7[%dma_start3A_34, %dma_start3A_35] : memref<320x128xf32, #tpu.memory_space<vmem>> -> memref<80x128xf32, #tpu.memory_space<vmem>>
    %dma_start3A_37 = arith.constant 160 : i32
    %dma_start3A_38 = tpu.memref_slice %arg6[%dma_start3A_37] : memref<320xi32, #tpu.memory_space<vmem>> -> memref<80xi32, #tpu.memory_space<vmem>>
    %dma_start3A_39 = arith.constant 0 : i32
    %dma_start3A_40 = arith.constant 0 : i32
    %dma_start3A_41 = tpu.memref_slice %arg3[%dma_start3A_39, %dma_start3A_40] : memref<95x128xf32, #tpu.memory_space<hbm>> -> memref<95x128xf32, #tpu.memory_space<hbm>>
    tpu.enqueue_indirect_dma source(%dma_start3A_41 : memref<95x128xf32, #tpu.memory_space<hbm>>) target(%dma_start3A_36 : memref<80x128xf32, #tpu.memory_space<vmem>>) offsets(%dma_start3A_38 : memref<80xi32, #tpu.memory_space<vmem>>) semaphore(%arg9 : memref<!tpu.dma_semaphore, #tpu.memory_space<semaphore_mem>>)
    %dma_wait3A_42 = arith.constant 160 : i32
    %dma_wait3A_43 = arith.constant 0 : i32
    %dma_wait3A_44 = tpu.memref_slice %arg7[%dma_wait3A_42, %dma_wait3A_43] : memref<320x128xf32, #tpu.memory_space<vmem>> -> memref<80x128xf32, #tpu.memory_space<vmem>>
    %dma_wait3A_45 = arith.constant 160 : i32
    %dma_wait3A_46 = tpu.memref_slice %arg6[%dma_wait3A_45] : memref<320xi32, #tpu.memory_space<vmem>> -> memref<80xi32, #tpu.memory_space<vmem>>
    %dma_wait3A_47 = arith.constant 0 : i32
    %dma_wait3A_48 = arith.constant 0 : i32
    %dma_wait3A_49 = tpu.memref_slice %arg3[%dma_wait3A_47, %dma_wait3A_48] : memref<95x128xf32, #tpu.memory_space<hbm>> -> memref<95x128xf32, #tpu.memory_space<hbm>>
    tpu.wait_indirect_dma semaphore(%arg9 : memref<!tpu.dma_semaphore, #tpu.memory_space<semaphore_mem>>) src(%dma_wait3A_49 : memref<95x128xf32, #tpu.memory_space<hbm>>) dst(%dma_wait3A_44 : memref<80x128xf32, #tpu.memory_space<vmem>>)
    %dma_start3A_50 = arith.constant 240 : i32
    %dma_start3A_51 = arith.constant 0 : i32
    %dma_start3A_52 = tpu.memref_slice %arg7[%dma_start3A_50, %dma_start3A_51] : memref<320x128xf32, #tpu.memory_space<vmem>> -> memref<80x128xf32, #tpu.memory_space<vmem>>
    %dma_start3A_53 = arith.constant 240 : i32
    %dma_start3A_54 = tpu.memref_slice %arg6[%dma_start3A_53] : memref<320xi32, #tpu.memory_space<vmem>> -> memref<80xi32, #tpu.memory_space<vmem>>
    %dma_start3A_55 = arith.constant 0 : i32
    %dma_start3A_56 = arith.constant 0 : i32
    %dma_start3A_57 = tpu.memref_slice %arg3[%dma_start3A_55, %dma_start3A_56] : memref<95x128xf32, #tpu.memory_space<hbm>> -> memref<95x128xf32, #tpu.memory_space<hbm>>
    tpu.enqueue_indirect_dma source(%dma_start3A_57 : memref<95x128xf32, #tpu.memory_space<hbm>>) target(%dma_start3A_52 : memref<80x128xf32, #tpu.memory_space<vmem>>) offsets(%dma_start3A_54 : memref<80xi32, #tpu.memory_space<vmem>>) semaphore(%arg9 : memref<!tpu.dma_semaphore, #tpu.memory_space<semaphore_mem>>)
    %dma_wait3A_58 = arith.constant 240 : i32
    %dma_wait3A_59 = arith.constant 0 : i32
    %dma_wait3A_60 = tpu.memref_slice %arg7[%dma_wait3A_58, %dma_wait3A_59] : memref<320x128xf32, #tpu.memory_space<vmem>> -> memref<80x128xf32, #tpu.memory_space<vmem>>
    %dma_wait3A_61 = arith.constant 240 : i32
    %dma_wait3A_62 = tpu.memref_slice %arg6[%dma_wait3A_61] : memref<320xi32, #tpu.memory_space<vmem>> -> memref<80xi32, #tpu.memory_space<vmem>>
    %dma_wait3A_63 = arith.constant 0 : i32
    %dma_wait3A_64 = arith.constant 0 : i32
    %dma_wait3A_65 = tpu.memref_slice %arg3[%dma_wait3A_63, %dma_wait3A_64] : memref<95x128xf32, #tpu.memory_space<hbm>> -> memref<95x128xf32, #tpu.memory_space<hbm>>
    tpu.wait_indirect_dma semaphore(%arg9 : memref<!tpu.dma_semaphore, #tpu.memory_space<semaphore_mem>>) src(%dma_wait3A_65 : memref<95x128xf32, #tpu.memory_space<hbm>>) dst(%dma_wait3A_60 : memref<80x128xf32, #tpu.memory_space<vmem>>)
    "tpu.region"() ({
      %run_scoped3A = tpu.sem_alloc : memref<!tpu.dma_semaphore, #tpu.memory_space<semaphore_mem>>
      %dma_start3A_66 = arith.constant 0 : i32
      %dma_start3A_67 = tpu.memref_slice %arg5[%min3A_3, %dma_start3A_66] : memref<10000x128xf32, #tpu.memory_space<hbm>> -> memref<320x128xf32, #tpu.memory_space<hbm>>
      %dma_start3A_68 = arith.constant 0 : i32
      %dma_start3A_69 = tpu.memref_slice %arg5[%min3A_3, %dma_start3A_68] : memref<10000x128xf32, #tpu.memory_space<hbm>> -> memref<320x128xf32, #tpu.memory_space<hbm>>
      tpu.enqueue_dma source(%arg7 : memref<320x128xf32, #tpu.memory_space<vmem>>) target(%dma_start3A_69 : memref<320x128xf32, #tpu.memory_space<hbm>>) target_semaphore(%run_scoped3A : memref<!tpu.dma_semaphore, #tpu.memory_space<semaphore_mem>>)
      %dma_wait3A_70 = arith.constant 0 : i32
      %dma_wait3A_71 = tpu.memref_slice %arg5[%min3A_3, %dma_wait3A_70] : memref<10000x128xf32, #tpu.memory_space<hbm>> -> memref<320x128xf32, #tpu.memory_space<hbm>>
      %dma_wait3A_72 = arith.constant 0 : i32
      %dma_wait3A_73 = tpu.memref_slice %arg5[%min3A_3, %dma_wait3A_72] : memref<10000x128xf32, #tpu.memory_space<hbm>> -> memref<320x128xf32, #tpu.memory_space<hbm>>
      tpu.wait_dma2 semaphore(%run_scoped3A : memref<!tpu.dma_semaphore, #tpu.memory_space<semaphore_mem>>) src(%arg7 : memref<320x128xf32, #tpu.memory_space<vmem>>) dst(%dma_wait3A_73 : memref<320x128xf32, #tpu.memory_space<hbm>>)
      tpu.yield
    }) : () -> ()
    return
  }
}

#map = affine_map<(d0, d1) -> (0)>
module attributes {stable_mosaic.version = 14 : i64} {
  func.func @k(%arg0: i32, %arg1: i32, %arg2: memref<10000xi32, #tpu.memory_space<hbm>>, %arg3: memref<320000xi32, #tpu.memory_space<hbm>>, %arg4: memref<320000xi32, #tpu.memory_space<hbm>>, %arg5: memref<320000xi32, #tpu.memory_space<hbm>>, %arg6: memref<320000xi32, #tpu.memory_space<hbm>>, %arg7: memref<10000xi32, #tpu.memory_space<vmem>>, %arg8: memref<10000xi32, #tpu.memory_space<vmem>>, %arg9: memref<10000xi32, #tpu.memory_space<vmem>>, %arg10: memref<10000xi32, #tpu.memory_space<vmem>>, %arg11: memref<10000xi32, #tpu.memory_space<vmem>>) attributes {dimension_semantics = [#tpu.dimension_semantics<core_parallel>, #tpu.dimension_semantics<subcore_parallel>], iteration_bounds = array<i64: 2, 16>, scalar_prefetch = 0 : i64, scratch_operands = 5 : i64, tpu.core_type = #tpu.core_type<sc_vector_subcore>, window_params = [{transform_indices = #map}, {transform_indices = #map}, {transform_indices = #map}, {transform_indices = #map}, {transform_indices = #map}]} {
    %mul3A = arith.constant 2 : i32
    %mul3A_0 = arith.muli %arg1, %mul3A : i32
    %add3A = arith.addi %mul3A_0, %arg0 : i32
    %mul3A_1 = arith.constant 10000 : i32
    %mul3A_2 = arith.muli %add3A, %mul3A_1 : i32
    "tpu.region"() ({
      %run_scoped3A = tpu.sem_alloc : memref<!tpu.dma_semaphore, #tpu.memory_space<semaphore_mem>>
      tpu.enqueue_dma source(%arg2 : memref<10000xi32, #tpu.memory_space<hbm>>) target(%arg7 : memref<10000xi32, #tpu.memory_space<vmem>>) target_semaphore(%run_scoped3A : memref<!tpu.dma_semaphore, #tpu.memory_space<semaphore_mem>>)
      tpu.wait_dma2 semaphore(%run_scoped3A : memref<!tpu.dma_semaphore, #tpu.memory_space<semaphore_mem>>) src(%arg2 : memref<10000xi32, #tpu.memory_space<hbm>>) dst(%arg7 : memref<10000xi32, #tpu.memory_space<vmem>>)
      tpu.yield
    }) : () -> ()
    "tpu.region"() ({
      %run_scoped3A = tpu.sem_alloc : memref<!tpu.dma_semaphore, #tpu.memory_space<semaphore_mem>>
      %dma_start3A = tpu.memref_slice %arg3[%mul3A_2] : memref<320000xi32, #tpu.memory_space<hbm>> -> memref<10000xi32, #tpu.memory_space<hbm>>
      %dma_start3A_5 = tpu.memref_slice %arg3[%mul3A_2] : memref<320000xi32, #tpu.memory_space<hbm>> -> memref<10000xi32, #tpu.memory_space<hbm>>
      tpu.enqueue_dma source(%dma_start3A_5 : memref<10000xi32, #tpu.memory_space<hbm>>) target(%arg8 : memref<10000xi32, #tpu.memory_space<vmem>>) target_semaphore(%run_scoped3A : memref<!tpu.dma_semaphore, #tpu.memory_space<semaphore_mem>>)
      %dma_wait3A = tpu.memref_slice %arg3[%mul3A_2] : memref<320000xi32, #tpu.memory_space<hbm>> -> memref<10000xi32, #tpu.memory_space<hbm>>
      %dma_wait3A_6 = tpu.memref_slice %arg3[%mul3A_2] : memref<320000xi32, #tpu.memory_space<hbm>> -> memref<10000xi32, #tpu.memory_space<hbm>>
      tpu.wait_dma2 semaphore(%run_scoped3A : memref<!tpu.dma_semaphore, #tpu.memory_space<semaphore_mem>>) src(%dma_wait3A_6 : memref<10000xi32, #tpu.memory_space<hbm>>) dst(%arg8 : memref<10000xi32, #tpu.memory_space<vmem>>)
      tpu.yield
    }) : () -> ()
    "tpu.region"() ({
      %run_scoped3A = tpu.sem_alloc : memref<!tpu.dma_semaphore, #tpu.memory_space<semaphore_mem>>
      %dma_start3A = tpu.memref_slice %arg4[%mul3A_2] : memref<320000xi32, #tpu.memory_space<hbm>> -> memref<10000xi32, #tpu.memory_space<hbm>>
      %dma_start3A_5 = tpu.memref_slice %arg4[%mul3A_2] : memref<320000xi32, #tpu.memory_space<hbm>> -> memref<10000xi32, #tpu.memory_space<hbm>>
      tpu.enqueue_dma source(%dma_start3A_5 : memref<10000xi32, #tpu.memory_space<hbm>>) target(%arg9 : memref<10000xi32, #tpu.memory_space<vmem>>) target_semaphore(%run_scoped3A : memref<!tpu.dma_semaphore, #tpu.memory_space<semaphore_mem>>)
      %dma_wait3A = tpu.memref_slice %arg4[%mul3A_2] : memref<320000xi32, #tpu.memory_space<hbm>> -> memref<10000xi32, #tpu.memory_space<hbm>>
      %dma_wait3A_6 = tpu.memref_slice %arg4[%mul3A_2] : memref<320000xi32, #tpu.memory_space<hbm>> -> memref<10000xi32, #tpu.memory_space<hbm>>
      tpu.wait_dma2 semaphore(%run_scoped3A : memref<!tpu.dma_semaphore, #tpu.memory_space<semaphore_mem>>) src(%dma_wait3A_6 : memref<10000xi32, #tpu.memory_space<hbm>>) dst(%arg9 : memref<10000xi32, #tpu.memory_space<vmem>>)
      tpu.yield
    }) : () -> ()
    %parallel_loop3A = arith.constant 0 : i32
    %parallel_loop3A_3 = arith.constant 10000 : i32
    %parallel_loop3A_4 = arith.constant 16 : i32
    scf.for %parallel_loop3A_5 = %parallel_loop3A to %parallel_loop3A_3 step %parallel_loop3A_4  : i32 {
      %parallel_loop3A_6 = arith.index_cast %parallel_loop3A_5 : i32 to index
      %parallel_loop3A_7 = tpu.vector_load %arg8[%parallel_loop3A_6] {strides = array<i32>} : memref<10000xi32, #tpu.memory_space<vmem>>, vector<16xi32>,
      %parallel_loop3A_8 = tpu.vector_load_idx %arg7[%parallel_loop3A_7] : memref<10000xi32, #tpu.memory_space<vmem>>[vector<16xi32>], vector<16xi32>,
      %parallel_loop3A_9 = arith.index_cast %parallel_loop3A_5 : i32 to index
      %parallel_loop3A_10 = tpu.vector_load %arg10[%parallel_loop3A_9] {strides = array<i32>} : memref<10000xi32, #tpu.memory_space<vmem>>, vector<16xi32>,
      tpu.vector_store %arg10[%parallel_loop3A_9], %parallel_loop3A_8 {strides = array<i32>} : memref<10000xi32, #tpu.memory_space<vmem>>, vector<16xi32>,
      %parallel_loop3A_11 = arith.index_cast %parallel_loop3A_5 : i32 to index
      %parallel_loop3A_12 = tpu.vector_load %arg9[%parallel_loop3A_11] {strides = array<i32>} : memref<10000xi32, #tpu.memory_space<vmem>>, vector<16xi32>,
      %parallel_loop3A_13 = tpu.vector_load_idx %arg7[%parallel_loop3A_12] : memref<10000xi32, #tpu.memory_space<vmem>>[vector<16xi32>], vector<16xi32>,
      %parallel_loop3A_14 = arith.index_cast %parallel_loop3A_5 : i32 to index
      %parallel_loop3A_15 = tpu.vector_load %arg11[%parallel_loop3A_14] {strides = array<i32>} : memref<10000xi32, #tpu.memory_space<vmem>>, vector<16xi32>,
      tpu.vector_store %arg11[%parallel_loop3A_14], %parallel_loop3A_13 {strides = array<i32>} : memref<10000xi32, #tpu.memory_space<vmem>>, vector<16xi32>,
    } {sc.loop_unroll_factor = 8 : i64, sc.parallel_access}
    "tpu.region"() ({
      %run_scoped3A = tpu.sem_alloc : memref<!tpu.dma_semaphore, #tpu.memory_space<semaphore_mem>>
      %dma_start3A = tpu.memref_slice %arg5[%mul3A_2] : memref<320000xi32, #tpu.memory_space<hbm>> -> memref<10000xi32, #tpu.memory_space<hbm>>
      %dma_start3A_5 = tpu.memref_slice %arg5[%mul3A_2] : memref<320000xi32, #tpu.memory_space<hbm>> -> memref<10000xi32, #tpu.memory_space<hbm>>
      tpu.enqueue_dma source(%arg10 : memref<10000xi32, #tpu.memory_space<vmem>>) target(%dma_start3A_5 : memref<10000xi32, #tpu.memory_space<hbm>>) target_semaphore(%run_scoped3A : memref<!tpu.dma_semaphore, #tpu.memory_space<semaphore_mem>>)
      %dma_wait3A = tpu.memref_slice %arg5[%mul3A_2] : memref<320000xi32, #tpu.memory_space<hbm>> -> memref<10000xi32, #tpu.memory_space<hbm>>
      %dma_wait3A_6 = tpu.memref_slice %arg5[%mul3A_2] : memref<320000xi32, #tpu.memory_space<hbm>> -> memref<10000xi32, #tpu.memory_space<hbm>>
      tpu.wait_dma2 semaphore(%run_scoped3A : memref<!tpu.dma_semaphore, #tpu.memory_space<semaphore_mem>>) src(%arg10 : memref<10000xi32, #tpu.memory_space<vmem>>) dst(%dma_wait3A_6 : memref<10000xi32, #tpu.memory_space<hbm>>)
      tpu.yield
    }) : () -> ()
    "tpu.region"() ({
      %run_scoped3A = tpu.sem_alloc : memref<!tpu.dma_semaphore, #tpu.memory_space<semaphore_mem>>
      %dma_start3A = tpu.memref_slice %arg6[%mul3A_2] : memref<320000xi32, #tpu.memory_space<hbm>> -> memref<10000xi32, #tpu.memory_space<hbm>>
      %dma_start3A_5 = tpu.memref_slice %arg6[%mul3A_2] : memref<320000xi32, #tpu.memory_space<hbm>> -> memref<10000xi32, #tpu.memory_space<hbm>>
      tpu.enqueue_dma source(%arg11 : memref<10000xi32, #tpu.memory_space<vmem>>) target(%dma_start3A_5 : memref<10000xi32, #tpu.memory_space<hbm>>) target_semaphore(%run_scoped3A : memref<!tpu.dma_semaphore, #tpu.memory_space<semaphore_mem>>)
      %dma_wait3A = tpu.memref_slice %arg6[%mul3A_2] : memref<320000xi32, #tpu.memory_space<hbm>> -> memref<10000xi32, #tpu.memory_space<hbm>>
      %dma_wait3A_6 = tpu.memref_slice %arg6[%mul3A_2] : memref<320000xi32, #tpu.memory_space<hbm>> -> memref<10000xi32, #tpu.memory_space<hbm>>
      tpu.wait_dma2 semaphore(%run_scoped3A : memref<!tpu.dma_semaphore, #tpu.memory_space<semaphore_mem>>) src(%arg11 : memref<10000xi32, #tpu.memory_space<vmem>>) dst(%dma_wait3A_6 : memref<10000xi32, #tpu.memory_space<hbm>>)
      tpu.yield
    }) : () -> ()
    return
  }
}

module attributes {stable_mosaic.version = 14 : i64} {
  func.func @_tc_body(%arg0: i32, %arg1: memref<1x1x16000xi32, #tpu.memory_space<vmem>>, %arg2: memref<1x1x16000xi32, #tpu.memory_space<vmem>>, %arg3: memref<16x16000xf32, #tpu.memory_space<vmem>>, %arg4: memref<128x128xf32, #tpu.memory_space<vmem>>, %arg5: memref<384x128xf32, #tpu.memory_space<vmem>>, %arg6: memref<16x128xf32, #tpu.memory_space<vmem>>, %arg7: memref<1x128xf32, #tpu.memory_space<vmem>>, %arg8: memref<1x128xf32, #tpu.memory_space<vmem>>, %arg9: memref<16000x128xf32, #tpu.memory_space<vmem>>, %arg10: memref<240x128xbf16, #tpu.memory_space<vmem>>, %arg11: memref<1x128xf32, #tpu.memory_space<vmem>>) attributes {dimension_semantics = [#tpu.dimension_semantics<arbitrary>], iteration_bounds = array<i64: 20>, scalar_prefetch = 0 : i64, scratch_operands = 2 : i64, tpu.core_type = #tpu.core_type<tc>, window_params = [{transform_indices = @transform_0, window_bounds = array<i64: 1, 1, 16000>}, {transform_indices = @transform_1, window_bounds = array<i64: 1, 1, 16000>}, {transform_indices = @transform_2, window_bounds = array<i64: 16, 16000>}, {pipeline_mode = #tpu.pipeline_mode<synchronous>, transform_indices = @transform_3, window_bounds = array<i64: 128, 128>}, {pipeline_mode = #tpu.pipeline_mode<synchronous>, transform_indices = @transform_4, window_bounds = array<i64: 384, 128>}, {pipeline_mode = #tpu.pipeline_mode<synchronous>, transform_indices = @transform_5, window_bounds = array<i64: 16, 128>}, {pipeline_mode = #tpu.pipeline_mode<synchronous>, transform_indices = @transform_6, window_bounds = array<i64: 1, 128>}, {pipeline_mode = #tpu.pipeline_mode<synchronous>, transform_indices = @transform_7, window_bounds = array<i64: 1, 128>}, {transform_indices = @transform_8, window_bounds = array<i64: 16000, 128>}]} {
    %eq3A = arith.constant 0 : i32
    %eq3A_0 = arith.cmpi eq, %arg0, %eq3A : i32
    %convert_element_type3A = arith.extui %eq3A_0 : i1 to i32
    %cond3A = arith.constant 0 : i32
    %cond3A_1 = arith.cmpi ne, %convert_element_type3A, %cond3A : i32
    scf.if %cond3A_1 {
      %get3A_38 = arith.constant 0 : index
      %get3A_39 = arith.constant 0 : index
      %get3A_40 = vector.load %arg4[%get3A_38, %get3A_39] : memref<128x128xf32, #tpu.memory_space<vmem>>, vector<96x128xf32>
      %get3A_41 = arith.constant 0 : index
      %get3A_42 = arith.constant 0 : index
      %get3A_43 = vector.load %arg5[%get3A_41, %get3A_42] : memref<384x128xf32, #tpu.memory_space<vmem>>, vector<384x128xf32>
      %slice3A = vector.extract_strided_slice %get3A_43 {offsets = [0, 0], sizes = [128, 128], strides = [1, 1]} : vector<384x128xf32> to vector<128x128xf32>
      %dot_general3A_44 = arith.constant dense<0.000000e+00> : vector<96x128xf32>
      %dot_general3A_45 = tpu.matmul %get3A_40, %slice3A, %dot_general3A_44 {dimension_numbers = #tpu.dot_dimension_numbers<[1], [0], [0], [1], [0, 0, 1, 1], [], []>, transpose_lhs_hint = false} : vector<96x128xf32>, vector<128x128xf32>, vector<96x128xf32> -> vector<96x128xf32>
      %convert_element_type3A_46 = arith.truncf %dot_general3A_45 : vector<96x128xf32> to vector<96x128xbf16>
      %swap3A_47 = arith.constant 0 : index
      %swap3A_48 = arith.constant 0 : index
      %swap3A_49 = vector.load %arg10[%swap3A_47, %swap3A_48] : memref<240x128xbf16, #tpu.memory_space<vmem>>, vector<96x128xbf16>
      tpu.vector_store %arg10[%swap3A_47, %swap3A_48], %convert_element_type3A_46 {strides = array<i32>} : memref<240x128xbf16, #tpu.memory_space<vmem>>, vector<96x128xbf16>,
      %slice3A_50 = vector.extract_strided_slice %get3A_43 {offsets = [128, 0], sizes = [128, 128], strides = [1, 1]} : vector<384x128xf32> to vector<128x128xf32>
      %dot_general3A_51 = arith.constant dense<0.000000e+00> : vector<96x128xf32>
      %dot_general3A_52 = tpu.matmul %get3A_40, %slice3A_50, %dot_general3A_51 {dimension_numbers = #tpu.dot_dimension_numbers<[1], [0], [0], [1], [0, 0, 1, 1], [], []>, transpose_lhs_hint = false} : vector<96x128xf32>, vector<128x128xf32>, vector<96x128xf32> -> vector<96x128xf32>
      %convert_element_type3A_53 = arith.truncf %dot_general3A_52 : vector<96x128xf32> to vector<96x128xbf16>
      %swap3A_54 = arith.constant 96 : index
      %swap3A_55 = arith.constant 0 : index
      %swap3A_56 = vector.load %arg10[%swap3A_54, %swap3A_55] : memref<240x128xbf16, #tpu.memory_space<vmem>>, vector<96x128xbf16>
      tpu.vector_store %arg10[%swap3A_54, %swap3A_55], %convert_element_type3A_53 {strides = array<i32>} : memref<240x128xbf16, #tpu.memory_space<vmem>>, vector<96x128xbf16>,
      %slice3A_57 = vector.extract_strided_slice %get3A_43 {offsets = [256, 0], sizes = [128, 128], strides = [1, 1]} : vector<384x128xf32> to vector<128x128xf32>
      %get3A_58 = arith.constant 0 : index
      %get3A_59 = arith.constant 0 : index
      %get3A_60 = vector.load %arg6[%get3A_58, %get3A_59] : memref<16x128xf32, #tpu.memory_space<vmem>>, vector<16x128xf32>
      %dot_general3A_61 = arith.constant dense<0.000000e+00> : vector<16x128xf32>
      %dot_general3A_62 = tpu.matmul %get3A_60, %slice3A_57, %dot_general3A_61 {dimension_numbers = #tpu.dot_dimension_numbers<[1], [0], [0], [1], [0, 0, 1, 1], [], []>, transpose_lhs_hint = false} : vector<16x128xf32>, vector<128x128xf32>, vector<16x128xf32> -> vector<16x128xf32>
      %convert_element_type3A_63 = arith.truncf %dot_general3A_62 : vector<16x128xf32> to vector<16x128xbf16>
      %convert_element_type3A_64 = arith.extf %convert_element_type3A_63 : vector<16x128xbf16> to vector<16x128xf32>
      %sub3A_65 = arith.subf %dot_general3A_62, %convert_element_type3A_64 : vector<16x128xf32>
      %convert_element_type3A_66 = arith.truncf %sub3A_65 : vector<16x128xf32> to vector<16x128xbf16>
      %swap3A_67 = arith.constant 192 : index
      %swap3A_68 = arith.constant 0 : index
      %swap3A_69 = vector.load %arg10[%swap3A_67, %swap3A_68] : memref<240x128xbf16, #tpu.memory_space<vmem>>, vector<16x128xbf16>
      tpu.vector_store %arg10[%swap3A_67, %swap3A_68], %convert_element_type3A_63 {strides = array<i32>} : memref<240x128xbf16, #tpu.memory_space<vmem>>, vector<16x128xbf16>,
      %swap3A_70 = arith.constant 208 : index
      %swap3A_71 = arith.constant 0 : index
      %swap3A_72 = vector.load %arg10[%swap3A_70, %swap3A_71] : memref<240x128xbf16, #tpu.memory_space<vmem>>, vector<16x128xbf16>
      tpu.vector_store %arg10[%swap3A_70, %swap3A_71], %convert_element_type3A_66 {strides = array<i32>} : memref<240x128xbf16, #tpu.memory_space<vmem>>, vector<16x128xbf16>,
      %swap3A_73 = arith.constant 224 : index
      %swap3A_74 = arith.constant 0 : index
      %swap3A_75 = vector.load %arg10[%swap3A_73, %swap3A_74] : memref<240x128xbf16, #tpu.memory_space<vmem>>, vector<16x128xbf16>
      tpu.vector_store %arg10[%swap3A_73, %swap3A_74], %convert_element_type3A_63 {strides = array<i32>} : memref<240x128xbf16, #tpu.memory_space<vmem>>, vector<16x128xbf16>,
      %get3A_76 = arith.constant 0 : index
      %get3A_77 = arith.constant 0 : index
      %get3A_78 = vector.load %arg7[%get3A_76, %get3A_77] : memref<1x128xf32, #tpu.memory_space<vmem>>, vector<1x128xf32>
      %dot_general3A_79 = arith.constant dense<0.000000e+00> : vector<1x128xf32>
      %dot_general3A_80 = tpu.matmul %get3A_78, %slice3A_57, %dot_general3A_79 {dimension_numbers = #tpu.dot_dimension_numbers<[1], [0], [0], [1], [0, 0, 1, 1], [], []>, transpose_lhs_hint = false} : vector<1x128xf32>, vector<128x128xf32>, vector<1x128xf32> -> vector<1x128xf32>
      %get3A_81 = arith.constant 0 : index
      %get3A_82 = arith.constant 0 : index
      %get3A_83 = vector.load %arg8[%get3A_81, %get3A_82] : memref<1x128xf32, #tpu.memory_space<vmem>>, vector<1x128xf32>
      %add3A_84 = arith.addf %dot_general3A_80, %get3A_83 : vector<1x128xf32>
      %swap3A_85 = arith.constant 0 : index
      %swap3A_86 = arith.constant 0 : index
      %swap3A_87 = vector.load %arg11[%swap3A_85, %swap3A_86] : memref<1x128xf32, #tpu.memory_space<vmem>>, vector<1x128xf32>
      tpu.vector_store %arg11[%swap3A_85, %swap3A_86], %add3A_84 {strides = array<i32>} : memref<1x128xf32, #tpu.memory_space<vmem>>, vector<1x128xf32>,
    } else {
    }
    %get3A = arith.constant 0 : index
    %get3A_2 = arith.constant 0 : index
    %get3A_3 = arith.constant 0 : index
    %get3A_4 = vector.load %arg1[%get3A, %get3A_2, %get3A_3] : memref<1x1x16000xi32, #tpu.memory_space<vmem>>, vector<1x1x16000xi32>
    %reshape3A = vector.shape_cast %get3A_4 : vector<1x1x16000xi32> to vector<1x16000xi32>
    %get3A_5 = arith.constant 0 : index
    %get3A_6 = arith.constant 0 : index
    %get3A_7 = arith.constant 0 : index
    %get3A_8 = vector.load %arg2[%get3A_5, %get3A_6, %get3A_7] : memref<1x1x16000xi32, #tpu.memory_space<vmem>>, vector<1x1x16000xi32>
    %reshape3A_9 = vector.shape_cast %get3A_8 : vector<1x1x16000xi32> to vector<1x16000xi32>
    %convert_element_type3A_10 = arith.trunci %reshape3A : vector<1x16000xi32> to vector<1x16000xi16>
    %convert_element_type3A_11 = arith.trunci %reshape3A_9 : vector<1x16000xi32> to vector<1x16000xi16>
    %add3A = arith.constant 96 : i16
    %add3A_12 = vector.broadcast %add3A : i16 to vector<1x16000xi16>
    %add3A_13 = arith.addi %convert_element_type3A_11, %add3A_12 : vector<1x16000xi16>
    %iota3A = tpu.iota {dimensions = array<i32: 0>} : vector<192x16000xi16>
    %broadcast_in_dim3A = arith.constant 1.000000e+00 : bf16
    %broadcast_in_dim3A_14 = vector.broadcast %broadcast_in_dim3A : bf16 to vector<192x16000xbf16>
    %broadcast_in_dim3A_15 = arith.constant 0.000000e+00 : bf16
    %broadcast_in_dim3A_16 = vector.broadcast %broadcast_in_dim3A_15 : bf16 to vector<192x16000xbf16>
    %eq3A_17 = vector.broadcast %convert_element_type3A_10 : vector<1x16000xi16> to vector<192x16000xi16>
    %eq3A_18 = arith.cmpi eq, %iota3A, %eq3A_17 : vector<192x16000xi16>
    %eq3A_19 = vector.broadcast %add3A_13 : vector<1x16000xi16> to vector<192x16000xi16>
    %eq3A_20 = arith.cmpi eq, %iota3A, %eq3A_19 : vector<192x16000xi16>
    %or3A = arith.ori %eq3A_18, %eq3A_20 : vector<192x16000xi1>
    %select_n3A = arith.select %or3A, %broadcast_in_dim3A_14, %broadcast_in_dim3A_16 : vector<192x16000xi1>, vector<192x16000xbf16>
    %get3A_21 = arith.constant 0 : index
    %get3A_22 = arith.constant 0 : index
    %get3A_23 = vector.load %arg3[%get3A_21, %get3A_22] : memref<16x16000xf32, #tpu.memory_space<vmem>>, vector<16x16000xf32>
    %convert_element_type3A_24 = arith.truncf %get3A_23 : vector<16x16000xf32> to vector<16x16000xbf16>
    %convert_element_type3A_25 = arith.extf %convert_element_type3A_24 : vector<16x16000xbf16> to vector<16x16000xf32>
    %sub3A = arith.subf %get3A_23, %convert_element_type3A_25 : vector<16x16000xf32>
    %convert_element_type3A_26 = arith.truncf %sub3A : vector<16x16000xf32> to vector<16x16000xbf16>
    %concatenate3A = tpu.concatenate %select_n3A, %convert_element_type3A_24, %convert_element_type3A_24, %convert_element_type3A_26 in 0 : vector<192x16000xbf16>, vector<16x16000xbf16>, vector<16x16000xbf16>, vector<16x16000xbf16> -> vector<240x16000xbf16>
    %get3A_27 = arith.constant 0 : index
    %get3A_28 = arith.constant 0 : index
    %get3A_29 = vector.load %arg10[%get3A_27, %get3A_28] : memref<240x128xbf16, #tpu.memory_space<vmem>>, vector<240x128xbf16>
    %dot_general3A = arith.constant dense<0.000000e+00> : vector<16000x128xf32>
    %dot_general3A_30 = tpu.matmul %concatenate3A, %get3A_29, %dot_general3A {dimension_numbers = #tpu.dot_dimension_numbers<[0], [0], [1], [1], [0, 1, 1, 1], [], []>, transpose_lhs_hint = false} : vector<240x16000xbf16>, vector<240x128xbf16>, vector<16000x128xf32> -> vector<16000x128xf32>
    %get3A_31 = arith.constant 0 : index
    %get3A_32 = arith.constant 0 : index
    %get3A_33 = vector.load %arg11[%get3A_31, %get3A_32] : memref<1x128xf32, #tpu.memory_space<vmem>>, vector<1x128xf32>
    %add3A_34 = vector.broadcast %get3A_33 : vector<1x128xf32> to vector<16000x128xf32>
    %add3A_35 = arith.addf %dot_general3A_30, %add3A_34 : vector<16000x128xf32>
    %swap3A = arith.constant 0 : index
    %swap3A_36 = arith.constant 0 : index
    %swap3A_37 = vector.load %arg9[%swap3A, %swap3A_36] : memref<16000x128xf32, #tpu.memory_space<vmem>>, vector<16000x128xf32>
    tpu.vector_store %arg9[%swap3A, %swap3A_36], %add3A_35 {strides = array<i32>} : memref<16000x128xf32, #tpu.memory_space<vmem>>, vector<16000x128xf32>,
    return
  }
  func.func @transform_0(%arg0: i32) -> (i32, i32, i32) {
    %c0_i32 = arith.constant 0 : i32
    %c0_i32_0 = arith.constant 0 : i32
    %c0_i32_1 = arith.constant 0 : i32
    return %arg0, %c0_i32, %c0_i32_0 : i32, i32, i32
  }
  func.func @transform_1(%arg0: i32) -> (i32, i32, i32) {
    %c0_i32 = arith.constant 0 : i32
    %c0_i32_0 = arith.constant 0 : i32
    %c0_i32_1 = arith.constant 0 : i32
    return %arg0, %c0_i32, %c0_i32_0 : i32, i32, i32
  }
  func.func @transform_2(%arg0: i32) -> (i32, i32) {
    %c0_i32 = arith.constant 0 : i32
    %c0_i32_0 = arith.constant 0 : i32
    return %c0_i32, %arg0 : i32, i32
  }
  func.func @transform_3(%arg0: i32) -> (i32, i32) {
    %c0_i32 = arith.constant 0 : i32
    %c0_i32_0 = arith.constant 0 : i32
    %c0_i32_1 = arith.constant 0 : i32
    return %c0_i32, %c0_i32_0 : i32, i32
  }
  func.func @transform_4(%arg0: i32) -> (i32, i32) {
    %c0_i32 = arith.constant 0 : i32
    %c0_i32_0 = arith.constant 0 : i32
    %c0_i32_1 = arith.constant 0 : i32
    return %c0_i32, %c0_i32_0 : i32, i32
  }
  func.func @transform_5(%arg0: i32) -> (i32, i32) {
    %c0_i32 = arith.constant 0 : i32
    %c0_i32_0 = arith.constant 0 : i32
    %c0_i32_1 = arith.constant 0 : i32
    return %c0_i32, %c0_i32_0 : i32, i32
  }
  func.func @transform_6(%arg0: i32) -> (i32, i32) {
    %c0_i32 = arith.constant 0 : i32
    %c0_i32_0 = arith.constant 0 : i32
    %c0_i32_1 = arith.constant 0 : i32
    return %c0_i32, %c0_i32_0 : i32, i32
  }
  func.func @transform_7(%arg0: i32) -> (i32, i32) {
    %c0_i32 = arith.constant 0 : i32
    %c0_i32_0 = arith.constant 0 : i32
    %c0_i32_1 = arith.constant 0 : i32
    return %c0_i32, %c0_i32_0 : i32, i32
  }
  func.func @transform_8(%arg0: i32) -> (i32, i32) {
    %c0_i32 = arith.constant 0 : i32
    %c0_i32_0 = arith.constant 0 : i32
    return %arg0, %c0_i32 : i32, i32
  }
}

</mosaic_0001>

<sc_bundles>
// kernel: kernel.5.cloned.1.call-start
scs
__scs_entry_jumppad:
0x0: {  	(pc) =	sbr.rel $0x88, $3  }
0x1: {  	(tag) =	ssettag $0x0;
	lr =	simm.s32 $0x1  }
0x2: {  	[smem:$0x3F98] =	sst lr;
	_ =	strace $0xD0000000  }
0x3: {  	_ = 	snop  }
0x4: {  	_ = 	snop  }
0x5: {  	_ = 	snop  }
0x6: {  	_ = 	snop  }
0x7: {  	_ = 	snop  }
__scs_overlays_trampoline_lowered:
0x8: {  	[smem:$0x3FA7] =	sst s0  }
0x9: {  	[smem:$0x3FA8] =	sst s1  }
0xa: {  	[smem:$0x3FA9] =	sst s2  }
0xb: {  	[smem:$0x3FAA] =	sst s3  }
0xc: {  	[smem:$0x3FAB] =	sst s4  }
0xd: {  	[smem:$0x3FAC] =	sst s5  }
0xe: {  	[smem:$0x3FAD] =	sst s6  }
0xf: {  	[smem:$0x3FAE] =	sst s7  }
0x10: {  	[smem:$0x3FAF] =	sst s8  }
0x11: {  	[smem:$0x3FB0] =	sst s9;
	s0 =	simm.s32 @!p0 $0x0  }
0x12: {  	s1 =	sld [smem:$0x3F96];
	s0 =	simm.s32 @p0 $0x1  }
0x13: {  	[smem:$0x3FB1] =	sst s0;
	s0 =	simm.s32 @!p1 $0x0  }
0x14: {  	s2 =	sld [smem:$0x3F95];
	s0 =	simm.s32 @p1 $0x1  }
0x15: {  	[smem:$0x3FB2] =	sst s0;
	s0 =	simm.s32 @!p2 $0x0  }
0x16: {  	s3 =	sld [smem:$0x3FDB];
	s0 =	simm.s32 @p2 $0x1  }
0x17: {  	s4 =	simm.s32 $0x1BF5;
	[smem:$0x3FB4] =	sst s0  }
0x18: {  	s0 =	sld [smem:$0x3F97];
	_ =	swait.ge [sflag:s4], $0x0  }
0x19: {  	s7 =	sld [smem:$0x3F98]  }
0x1a: {  	s8 =	sadd.s32 $0xFFFFE003, lr  }
0x1b: {  	s9 =	sadd.s32 $0xFFFFFEF7, lr;
	s5 =	simm.s32 $0xFFFFFFFF;
	p2 =	slt.u32 s8, $0xFFFFF086  }
0x1c: {  	p1 =	slt.u32 s9, $0xF7A;
	s5 =	simm.s32 @!p2 $0x0  }
0x1d: {  	s5 =	simm.s32 @p1 $0x1;
	p0 =	seq.s32 s7, s2  }
0x1e: {  	s7 =	smul.u32 @!p0 $0xF7A, s2;
	p2 =	seq.s32 @!p0 s5, $0x0  }
0x1f: {  	s9 =	smul.u32 $0xF7A, s1;
	s8 =	simm.s32 @!p0 $0x1BF5;
	p2 =	por !p2, p0  }
0x20: {  	[sflag:s8] =	ssyncset.s32 @!p0 $0xFFFFF086;
	s6 =	sadd.s32 @!p0 s3, s7;
	s7 =	simm.s32 @!p0 $0x108  }
0x21: {  	s3 =	sadd.s32 s3, s9;
	s6 =	sadd.s32 @!p0 $0x88, s6;
	s7 =	simm.s32 @p2 $0x1082  }
0x22: {  	[simem:s7], [sflag:s8] =	dma.local @!p0 [hbm:s6], $0xF7A  }
0x23: {  	s9 =	sor.u32 $0xD0000000, s2;
	s6 =	simm.s32 $0x108;
	_ =	swait.ge @!p0 [sflag:s8], $0x0  }
0x24: {  	s3 =	sadd.s32 $0x88, s3;
	s6 =	simm.s32 @!p1 $0x1082;
	[sflag:s4] =	ssyncset.s32 $0xFFFFF086  }
0x25: {  	[simem:s6], [sflag:s4] =	dma.local [hbm:s3], $0xF7A  }
0x26: {  	[smem:$0x3F98] =	sst s1;
	(tag) =	ssettag s2;
	_ =	strace s9  }
0x27: {  	s1 =	sld [smem:$0x3FA8]  }
0x28: {  	s2 =	sld [smem:$0x3FA9]  }
0x29: {  	s4 =	sld [smem:$0x3FAB]  }
0x2a: {  	p0 =	seq.s32 s5, $0x0;
	s5 =	sld [smem:$0x3FAC]  }
0x2b: {  	s6 =	sld [smem:$0x3FAD]  }
0x2c: {  	s7 =	sld [smem:$0x3FAE]  }
0x2d: {  	s3 =	simm.s32 $0x108;
	s8 =	sld [smem:$0x3FAF]  }
0x2e: {  	s3 =	simm.s32 @!p0 $0x1082;
	s9 =	sld [smem:$0x3FB0]  }
0x2f: {  	lr =	sadd.s32 s0, s3;
	s0 =	sld [smem:$0x3FA7]  }
0x30: {  	s3 =	sld [smem:$0x3FAA]  }
0x31: {  	[smem:$0x3FB3] =	sst s10  }
0x32: {  	s10 =	sld [smem:$0x3FB1];
	_ =	sdelay $0x3  }
0x33: {  	p0 =	seq.s32 s10, $0x1;
	s10 =	sld [smem:$0x3FB3];
	_ =	sdelay $0x3  }
0x34: {  	[smem:$0x3FB3] =	sst s10  }
0x35: {  	s10 =	sld [smem:$0x3FB2];
	_ =	sdelay $0x3  }
0x36: {  	p1 =	seq.s32 s10, $0x1;
	s10 =	sld [smem:$0x3FB3];
	_ =	sdelay $0x3  }
0x37: {  	[smem:$0x3FB3] =	sst s10  }
0x38: {  	s10 =	sld [smem:$0x3FB4]  }
0x39: {  	_ = 	snop;
	(pc) =	sbr.ind lr, $3  }
0x3a: {  	_ = 	snop  }
0x3b: {  	_ = 	snop  }
0x3c: {  	p2 =	seq.s32 s10, $0x1;
	s10 =	sld [smem:$0x3FB3]  }
0x3d: {  	_ =	shalt  }
0x3e: {  	_ =	shalt  }
0x3f: {  	_ =	shalt  }
0x40: {  	_ =	shalt  }
0x41: {  	_ =	shalt  }
0x42: {  	_ =	shalt  }
0x43: {  	_ =	shalt  }
0x44: {  	_ =	shalt  }
0x45: {  	_ =	shalt  }
0x46: {  	_ =	shalt  }
0x47: {  	_ =	shalt  }
0x48: {  	_ =	shalt  }
0x49: {  	_ =	shalt  }
0x4a: {  	_ =	shalt  }
0x4b: {  	_ =	shalt  }
0x4c: {  	_ =	shalt  }
0x4d: {  	_ =	shalt  }
0x4e: {  	_ =	shalt  }
0x4f: {  	_ =	shalt  }
0x50: {  	_ =	shalt  }
0x51: {  	_ =	shalt  }
0x52: {  	_ =	shalt  }
0x53: {  	_ =	shalt  }
0x54: {  	_ =	shalt  }
0x55: {  	_ =	shalt  }
0x56: {  	_ =	shalt  }
0x57: {  	_ =	shalt  }
0x58: {  	_ =	shalt  }
0x59: {  	_ =	shalt  }
0x5a: {  	_ =	shalt  }
0x5b: {  	_ =	shalt  }
0x5c: {  	_ =	shalt  }
0x5d: {  	_ =	shalt  }
0x5e: {  	_ =	shalt  }
0x5f: {  	_ =	shalt  }
0x60: {  	_ =	shalt  }
0x61: {  	_ =	shalt  }
0x62: {  	_ =	shalt  }
0x63: {  	_ =	shalt  }
0x64: {  	_ =	shalt  }
0x65: {  	_ =	shalt  }
0x66: {  	_ =	shalt  }
0x67: {  	_ =	shalt  }
0x68: {  	_ =	shalt  }
0x69: {  	_ =	shalt  }
0x6a: {  	_ =	shalt  }
0x6b: {  	_ =	shalt  }
0x6c: {  	_ =	shalt  }
0x6d: {  	_ =	shalt  }
0x6e: {  	_ =	shalt  }
0x6f: {  	_ =	shalt  }
0x70: {  	_ =	shalt  }
0x71: {  	_ =	shalt  }
0x72: {  	_ =	shalt  }
0x73: {  	_ =	shalt  }
0x74: {  	_ =	shalt  }
0x75: {  	_ =	shalt  }
0x76: {  	_ =	shalt  }
0x77: {  	_ =	shalt  }
0x78: {  	_ =	shalt  }
0x79: {  	_ =	shalt  }
0x7a: {  	_ =	shalt  }
0x7b: {  	_ =	shalt  }
0x7c: {  	_ =	shalt  }
0x7d: {  	_ =	shalt  }
0x7e: {  	_ =	shalt  }
0x7f: {  	_ =	shalt  }
0x80: {  	_ =	shalt  }
0x81: {  	_ =	shalt  }
0x82: {  	_ =	shalt  }
0x83: {  	_ =	shalt  }
0x84: {  	_ =	shalt  }
0x85: {  	_ =	shalt  }
0x86: {  	_ =	shalt  }
0x87: {  	_ =	shalt  }
.Lfunc_end0:
.L_simem_size_0:
called_computation_lowered:
.L_overlay_start_0:
0x88: {  	s2 =	sld [smem:$0x3FD9]  }
0x89: {  	s3 =	sld [smem:$0x3FFE];
	_ =	sdelay $0x1  }
0x8a: {  	s1 =	srdreg.scid  }
0x8b: {  	s0 =	sand.u32 $0x1, s1  }
0x8c: {  	s14 =	sshll.u32 s0, $0xA;
	s2 =	sadd.s32 s3, s2  }
0x8d: {  	s2 =	sadd.s32 s2, s14  }
0x8e: {  	[smem:$0x3FBF] =	sst s2  }
0x8f: {  	_ = 	snop  }
0x90: {  	s2 =	sld [smem:$0x3FD0]  }
0x91: {  	s15 =	sld [smem:$0x3FC9]  }
0x92: {  	s4 =	sld [smem:$0x3FC7]  }
0x93: {  	s6 =	simm.s32 $0xA;
	s7 =	simm.s32 $0x10;
	s5 =	sld [smem:$0x3FC6]  }
0x94: {  	[smem:s7], [sflag:s6] =	dma.local [hbm:s2], $0x1  }
0x95: {  	_ =	swait.eq [sflag:s6], $0x1  }
0x96: {  	[sflag:s6] =	ssyncset.done $0x0  }
0x97: {  	[sflag:s6] =	ssyncadd.s32 $0xFFFFFFFF  }
0x98: {  	s16 =	sld [smem:$0x10];
	(tm) =	ssettm $0x1  }
0x99: {  	s17 =	sld [smem:$0x3FFB];
	_ =	sdelay $0x3  }
0x9a: {  	_ =	strace s17  }
0x9b: {  	s6 =	sld [smem:$0x3FFC];
	_ =	sdelay $0x3  }
0x9c: {  	_ =	strace s6  }
0x9d: {  	s6 =	sld [smem:$0x3FFD];
	_ =	sdelay $0x3  }
0x9e: {  	_ =	strace s6  }
0x9f: {  	_ =	strace $0x8FFFFFFF  }
0xa0: {  	s18 =	sld [smem:$0x3FDB];
	_ =	sdelay $0x1  }
0xa1: {  	s19 =	simm.s32 $_scs_section_size  }
0xa2: {  	s8 =	simm.s32 $_size__tile_overlayer_lowered;
	s9 =	simm.s32 $_tile_overlayer_lowered  }
0xa3: {  	s22 =	simm.s32 $0x1BFF;
	s21 =	sshll.u32 s9, $0x1;
	s6 =	sadd.s32 s19, s18  }
0xa4: {  	s10 =	simm.s32 $0x0;
	s20 =	sshll.u32 s8, $0x1;
	s8 =	sadd.s32 s21, s6  }
0xa5: {  	[timem:s10], [sflag:s22] =	dma.local [hbm:s8], s20  }
0xa6: {  	_ =	swait.ge [sflag:s22], s20  }
0xa7: {  	s7 =	ssub.s32 $0x0, s20;
	[sflag:s22] =	ssyncset.done $0x0  }
0xa8: {  	[sflag:s22] =	ssyncadd.s32 s7;
	_ =	sdelay $0x1  }
0xa9: {  	s23 =	simm.s32 $0x1B8B  }
0xaa: {  	_ =	swait.ge [sflag:s23], $0x1  }
0xab: {  	[sflag:s23] =	ssyncset.done $0x0  }
0xac: {  	s25 =	simm.s32 $0x1B8E;
	s24 =	sld [smem:$0x3FFE];
	[sflag:s23] =	ssyncadd.s32 $0xFFFFFFFF  }
0xad: {  	s26 =	simm.s32 $execute0_lowered;
	[smem:$0x3FD2] =	sst s25  }
0xae: {  	s8 =	sshll.u32 s26, $0x1;
	_ =	strace $0x80000046;
	[dreg:$0x1] =	wrdreg $0xFFFFFFFF  }
0xaf: {  	s28 =	simm.s32 $_size_execute0_lowered;
	s6 =	sadd.s32 s6, s8;
	[dreg:$0x0] =	wrdreg $0x0  }
0xb0: {  	s8 =	sshll.u32 s28, $0x1;
	[dreg:$0x2] =	wrdreg s6  }
0xb1: {  	[dreg:$0x3] =	wrdreg s8  }
0xb2: {  	[dreg:$0x4] =	wrdreg $0xC0  }
0xb3: {  	_ =	task [dreg:s10], $0x5FFFF  }
0xb4: {  	[dreg:$0x1] =	wrdreg $0xFFFFFFFF  }
0xb5: {  	[dreg:$0x0] =	wrdreg $0x60  }
0xb6: {  	[dreg:$0x2] =	wrdreg s15  }
0xb7: {  	[dreg:$0x3] =	wrdreg s4  }
0xb8: {  	[dreg:$0x4] =	wrdreg s5  }
0xb9: {  	[dreg:$0x5] =	wrdreg s24  }
0xba: {  	[dreg:$0x6] =	wrdreg s16  }
0xbb: {  	[dreg:$0x7] =	wrdreg $0x9  }
0xbc: {  	_ =	task.clear_ibuf [dreg:s10], $0x8FFFF;
	_ =	strace $0x90000046  }
0xbd: {  	s29 =	simm.s32 $0x9;
	_ =	strace $0x80000048  }
0xbe: {  	_ =	swait.ge [sflag:s29], $0x1  }
0xbf: {  	[sflag:s29] =	ssyncadd.s32 $0xFFFFFFFF  }
0xc0: {  	_ =	strace $0x90000048  }
0xc1: {  	_ =	sfence  }
0xc2: {  	s30 =	sld [smem:$0x0];
	_ =	sdelay $0x2  }
0xc3: {  	s31 =	sshll.u32 s1, $0xD;
	s1 =	sshrl.u32 s1, $0x2  }
0xc4: {  	s3 =	sand.u32 $0x4000, s31;
	s1 =	sadd.s32 s1, s30  }
0xc5: {  	s0 =	sor.u32 s3, s0;
	s1 =	sshll.u32 s1, $0x11  }
0xc6: {  	s0 =	sor.u32 s1, s0  }
0xc7: {  	s0 =	sadd.s32 $0x8F2B, s0  }
0xc8: {  	[sflag:s0] =	ssyncadd.remote.s32 $0x1  }
0xc9: {  	_ =	sfence.sel $0xFFFF  }
0xca: {  	[dreg:$0x0] =	wrdreg $0xFFFFFFFF;
	(pc) =	sbr.abs _section_cstart, $3  }
0xcb: {  	[dreg:$0x1] =	wrdreg $0xFFFFFFFF  }
0xcc: {  	_ =	task.clear_ibuf [dreg:s10], $0x2FFFF;
	_ =	strace $0x9FFFFFFF  }
0xcd: {  	(tm) =	ssettm $0x7FFFFFFF  }
tec
execute0_lowered:
.L_overlay_start_1:
0x0: {  	(tag) =	ssettag $0x1  }
0x1: {  	s1 =	rddreg [dreg:$0x0]  }
0x2: {  	s4 =	rddreg [dreg:$0x1]  }
0x3: {  	s5 =	rddreg [dreg:$0x2];
	s2 =	srdreg.scid  }
0x4: {  	s0 =	stileid.u32;
	s6 =	rddreg [dreg:$0x3]  }
0x5: {  	s8 =	rddreg [dreg:$0x4];
	s3 =	simm.s32 $0x0;
	s11 =	simm.s32 $0x4F00  }
0x6: {  	s12 =	simm.s32 $0x7680;
	s7 =	sand.u32 $0x1, s2;
	s31 =	sshll.u32 s0, $0x1  }
0x7: {  	s13 =	simm.s32 $0x9E00;
	s14 =	simm.s32 $0x0;
	s9 =	sor.u32 s7, s31  }
0x8: {  	[smem:$0x7FF] =	sst s3;
	s7 =	ssub.s32 $0x2, s7;
	s9 =	smul.u32 $0x4E2, s9  }
0x9: {  	s2 =	rddreg [dreg:$0x5];
	_ =	strace $0x80000047;
	s10 =	sshrl.u32 s7, $0x1  }
0xa: {  	s10 =	ssub.s32 s7, s10;
	s6 =	sadd.s32 s9, s6;
	s4 =	sadd.s32 s4, s9  }
0xb: {  	s5 =	sadd.s32 s5, s9;
	s7 =	sadd.s32 s8, s9;
	s8 =	smax.u32 s10, $0x1  }
0xc: {  	s9 =	simm.s32 $0x1;
	s10 =	simm.s32 $0x2780;
	s6 =	sadd.s32 $0x1A00, s6  }
.LBB2_1:
0xd: {  	[tilespmem:s3], [sflag:$0x1] =	stream.linear.gather [hbm4b:s1+s3], $0x2780, $0x38;
	[tilespmem:$0xC580] =	vst v63  }
0xe: {  	_ =	swait.ge [sflag:s9], $0x2780  }
0xf: {  	[sflag:s9] =	ssyncset.done $0x0  }
0x10: {  	[sflag:s9] =	ssyncadd.s32 $0xFFFFD880  }
0x11: {  	[tilespmem:s10], [sflag:$0x1] =	stream.linear.gather [hbm4b:s4+s3], $0x2710, $0x38;
	[tilespmem:$0xC580] =	vst v63  }
0x12: {  	_ =	swait.ge [sflag:s9], $0x2710  }
0x13: {  	[sflag:s9] =	ssyncset.done $0x0  }
0x14: {  	[sflag:s9] =	ssyncadd.s32 $0xFFFFD8F0  }
0x15: {  	[tilespmem:s11], [sflag:$0x1] =	stream.linear.gather [hbm4b:s5+s3], $0x2710, $0x38;
	[tilespmem:$0xC580] =	vst v63  }
0x16: {  	_ =	swait.ge [sflag:s9], $0x2710  }
0x17: {  	[sflag:s9] =	ssyncset.done $0x0  }
0x18: {  	s15 =	simm.s32 $0x27C0;
	[sflag:s9] =	ssyncadd.s32 $0xFFFFD8F0  }
0x19: {  	v0 =	vld [tilespmem:s15+$0x30]  }
0x1a: {  	v1 =	vld [tilespmem:s15+$0xFFFFFFD0]  }
0x1b: {  	v2 =	vld [tilespmem:s15+$0xFFFFFFE0]  }
0x1c: {  	v3 =	vld [tilespmem:s15+$0xFFFFFFF0]  }
0x1d: {  	v4 =	vld [tilespmem:s15+$0x0]  }
0x1e: {  	v5 =	vld [tilespmem:s15+$0x10]  }
0x1f: {  	v6 =	vld [tilespmem:s15+$0x20]  }
0x20: {  	v7 =	vld [tilespmem:s15+$0xFFFFFFC0]  }
0x21: {  	v0 =	vld.idx.msk [tilespmem:v0+s3+$0x0], $0xffff  }
0x22: {  	v1 =	vld.idx.msk [tilespmem:v1+s3+$0x0], $0xffff  }
0x23: {  	v2 =	vld.idx.msk [tilespmem:v2+s3+$0x0], $0xffff  }
0x24: {  	v3 =	vld.idx.msk [tilespmem:v3+s3+$0x0], $0xffff  }
0x25: {  	v4 =	vld.idx.msk [tilespmem:v4+s3+$0x0], $0xffff  }
0x26: {  	s15 =	simm.s32 $0x76C0;
	v5 =	vld.idx.msk [tilespmem:v5+s3+$0x0], $0xffff  }
0x27: {  	s16 =	simm.s32 $0x4F40;
	v6 =	vld.idx.msk [tilespmem:v6+s3+$0x0], $0xffff;
	[tilespmem:s15+$0x30] =	vst v0  }
0x28: {  	v0 =	vld [tilespmem:s16+$0x30]  }
0x29: {  	[tilespmem:s15+$0xFFFFFFD0] =	vst v1;
	v1 =	vld.idx.msk [tilespmem:v7+s3+$0x0], $0xffff  }
0x2a: {  	[tilespmem:s15+$0xFFFFFFE0] =	vst v2;
	v2 =	vld [tilespmem:s16+$0xFFFFFFD0]  }
0x2b: {  	[tilespmem:s15+$0xFFFFFFF0] =	vst v3;
	v3 =	vld [tilespmem:s16+$0xFFFFFFE0]  }
0x2c: {  	[tilespmem:s15+$0x0] =	vst v4;
	v4 =	vld [tilespmem:s16+$0xFFFFFFF0]  }
0x2d: {  	[tilespmem:s15+$0x10] =	vst v5;
	v5 =	vld [tilespmem:s16+$0x0]  }
0x2e: {  	[tilespmem:s15+$0x20] =	vst v6;
	v7 =	vld [tilespmem:s16+$0x10]  }
0x2f: {  	v8 =	vld [tilespmem:s16+$0x20]  }
0x30: {  	[tilespmem:s15+$0xFFFFFFC0] =	vst v1;
	v9 =	vld.idx.msk [tilespmem:v0+s3+$0x0], $0xffff  }
0x31: {  	v0 =	vld [tilespmem:s16+$0xFFFFFFC0]  }
0x32: {  	v6 =	vld.idx.msk [tilespmem:v2+s3+$0x0], $0xffff  }
0x33: {  	v3 =	vld.idx.msk [tilespmem:v3+s3+$0x0], $0xffff  }
0x34: {  	v1 =	vld.idx.msk [tilespmem:v4+s3+$0x0], $0xffff  }
0x35: {  	v2 =	vld.idx.msk [tilespmem:v5+s3+$0x0], $0xffff  }
0x36: {  	s17 =	simm.s32 $0x9E40;
	v4 =	vld.idx.msk [tilespmem:v7+s3+$0x0], $0xffff  }
0x37: {  	s19 =	simm.s32 $0x0;
	s20 =	simm.s32 $0x2840;
	s18 =	simm.s32 $0x9E40;
	v5 =	vld.idx.msk [tilespmem:v8+s3+$0x0], $0xffff;
	[tilespmem:s17+$0x30] =	vst v9  }
.LBB2_2:
0x38: {  	v7 =	vld [tilespmem:s20+$0x30];
	s19 =	sadd.s32 $0x80, s19;
	[tilespmem:s17+$0xFFFFFFD0] =	vst v6  }
0x39: {  	v6 =	vld [tilespmem:s20+$0xFFFFFFD0];
	p0 =	slt.u32 s19, $0x2680;
	[tilespmem:s17+$0xFFFFFFE0] =	vst v3  }
0x3a: {  	v3 =	vld [tilespmem:s20+$0xFFFFFFE0];
	[tilespmem:s17+$0xFFFFFFF0] =	vst v1  }
0x3b: {  	v1 =	vld [tilespmem:s20+$0xFFFFFFF0];
	[tilespmem:s17+$0x0] =	vst v2  }
0x3c: {  	v2 =	vld [tilespmem:s20+$0x0];
	[tilespmem:s17+$0x10] =	vst v4  }
0x3d: {  	v4 =	vld [tilespmem:s20+$0x10];
	[tilespmem:s17+$0x20] =	vst v5  }
0x3e: {  	v5 =	vld [tilespmem:s20+$0x20]  }
0x3f: {  	v8 =	vld [tilespmem:s20+$0xFFFFFFC0]  }
0x40: {  	v7 =	vld.idx.msk [tilespmem:v7+s3+$0x0], $0xffff  }
0x41: {  	v6 =	vld.idx.msk [tilespmem:v6+s3+$0x0], $0xffff  }
0x42: {  	v3 =	vld.idx.msk [tilespmem:v3+s3+$0x0], $0xffff  }
0x43: {  	v1 =	vld.idx.msk [tilespmem:v1+s3+$0x0], $0xffff  }
0x44: {  	v2 =	vld.idx.msk [tilespmem:v2+s3+$0x0], $0xffff  }
0x45: {  	s15 =	sadd.s32 $0x80, s15;
	v4 =	vld.idx.msk [tilespmem:v4+s3+$0x0], $0xffff  }
0x46: {  	s16 =	sadd.s32 $0x80, s16;
	v5 =	vld.idx.msk [tilespmem:v5+s3+$0x0], $0xffff;
	[tilespmem:s15+$0x30] =	vst v7  }
0x47: {  	[tilespmem:s15+$0xFFFFFFD0] =	vst v6;
	v6 =	vld [tilespmem:s16+$0x30]  }
0x48: {  	v7 =	vld.idx.msk [tilespmem:v8+s3+$0x0], $0xffff;
	[tilespmem:s15+$0xFFFFFFE0] =	vst v3  }
0x49: {  	v3 =	vld [tilespmem:s16+$0xFFFFFFD0];
	[tilespmem:s15+$0xFFFFFFF0] =	vst v1  }
0x4a: {  	v1 =	vld [tilespmem:s16+$0xFFFFFFE0];
	[tilespmem:s15+$0x0] =	vst v2  }
0x4b: {  	v2 =	vld [tilespmem:s16+$0xFFFFFFF0];
	[tilespmem:s15+$0x10] =	vst v4  }
0x4c: {  	v4 =	vld [tilespmem:s16+$0x0];
	[tilespmem:s15+$0x20] =	vst v5  }
0x4d: {  	v5 =	vld [tilespmem:s16+$0x10]  }
0x4e: {  	[tilespmem:s15+$0xFFFFFFC0] =	vst v7;
	v7 =	vld [tilespmem:s16+$0x20]  }
0x4f: {  	v8 =	vld.idx.msk [tilespmem:v6+s3+$0x0], $0xffff  }
0x50: {  	v9 =	vld [tilespmem:s16+$0xFFFFFFC0]  }
0x51: {  	v10 =	vld.idx.msk [tilespmem:v0+s3+$0x0], $0xffff  }
0x52: {  	v6 =	vld.idx.msk [tilespmem:v3+s3+$0x0], $0xffff  }
.Ltmp0:
0x53: {  	v3 =	vld.idx.msk [tilespmem:v1+s3+$0x0], $0xffff;
	(pc) =	sbr.rel @p0 .LBB2_2-.Ltmp0, $4  }
0x54: {  	s17 =	sadd.s32 $0x80, s17;
	v1 =	vld.idx.msk [tilespmem:v2+s3+$0x0], $0xffff  }
0x55: {  	v2 =	vld.idx.msk [tilespmem:v4+s3+$0x0], $0xffff;
	[tilespmem:s17+$0x30] =	vst v8;
	v0 =	vmov v9  }
0x56: {  	v4 =	vld.idx.msk [tilespmem:v5+s3+$0x0], $0xffff  }
0x57: {  	s20 =	sadd.s32 $0x80, s20;
	v5 =	vld.idx.msk [tilespmem:v7+s3+$0x0], $0xffff;
	[tilespmem:s18+$0xFFFFFFC0] =	vst v10;
	s18 =	smov.u32 s17  }
0x58: {  	_ =	sdelay $0x2  }
0x59: {  	[tilespmem:s17+$0xFFFFFFD0] =	vst v6  }
0x5a: {  	[tilespmem:s17+$0xFFFFFFE0] =	vst v3;
	v0 =	vld.idx.msk [tilespmem:v0+s3+$0x0], $0xffff  }
0x5b: {  	[tilespmem:s17+$0xFFFFFFF0] =	vst v1  }
0x5c: {  	[tilespmem:s17+$0x0] =	vst v2  }
0x5d: {  	[tilespmem:s17+$0x10] =	vst v4  }
0x5e: {  	[tilespmem:s17+$0x20] =	vst v5  }
0x5f: {  	[tilespmem:s18+$0xFFFFFFC0] =	vst v0  }
0x60: {  	v0 =	vld [tilespmem:$0x4E80];
	_ =	sdelay $0x5  }
0x61: {  	v1 =	vld [tilespmem:$0x7600];
	_ =	sdelay $0x1  }
0x62: {  	v0 =	vld.idx.msk [tilespmem:v0+s3+$0x0], $0xffff;
	_ =	sdelay $0x4  }
0x63: {  	[tilespmem:$0x9D80] =	vst v0  }
0x64: {  	v0 =	vld.idx.msk [tilespmem:v1+s3+$0x0], $0xffff;
	_ =	sdelay $0x4  }
0x65: {  	[tilespmem:$0xC500] =	vst v0  }
0x66: {  	[hbm4b:s6+s3] =	stream.linear.scatter [tilespmem:s12], [sflag:$0x1], $0x2710, $0x38;
	[tilespmem:$0xC580] =	vst v63  }
0x67: {  	s14 =	sadd.s32 $0x1, s14;
	_ =	swait.ge [sflag:s9], $0x2710  }
0x68: {  	p0 =	sne.s32 s14, s8;
	[sflag:s9] =	ssyncset.done $0x0  }
.Ltmp1:
0x69: {  	[sflag:s9] =	ssyncadd.s32 $0xFFFFD8F0;
	(pc) =	sbr.rel @p0 .LBB2_1-.Ltmp1, $4  }
0x6a: {  	[hbm4b:s7+s3] =	stream.linear.scatter [tilespmem:s13], [sflag:$0x1], $0x2710, $0x38;
	[tilespmem:$0xC580] =	vst v63  }
0x6b: {  	_ =	swait.ge [sflag:s9], $0x2710  }
0x6c: {  	[sflag:s9] =	ssyncset.done $0x0  }
0x6d: {  	[sflag:s9] =	ssyncadd.s32 $0xFFFFD8F0  }
0x6e: {  	_ =	sfence.sel $0x180000  }
0x6f: {  	[bflag:$0x0] =	sbarrier.arrive $0xFFFF  }
0x70: {  	p0 =	sne.s32 s0, $0x0;
	_ =	strace $0x90000047  }
0x71: {  	s0 =	sadd.s32 @!p0 $0x100000, s2;
	[bflag:$0x2] =	sbarrier.arrive $0xFFFF  }
0x72: {  	[sflag:s0] =	ssyncadd.tile.s32 @!p0 $0x1;
	_ =	shalt  }
.Lfunc_end2:
_tile_overlayer_lowered:
.L_overlay_start_2:
0x73: {  	(tag) =	ssettag $0x2  }
0x74: {  	s0 =	rddreg [dreg:$0x0];
	s2 =	stileid.u32  }
0x75: {  	s1 =	rddreg [dreg:$0x1];
	p0 =	sne.s32 s2, $0x0  }
0x76: {  	s3 =	rddreg [dreg:$0x2];
	[bflag:$0x3] =	sbarrier.arrive $0xFFFF;
	s2 =	simm.s32 @!p0 $0x1C01  }
0x77: {  	[timem:s3], [sflag:s2] =	dma.local @!p0 [hbm:s0], s1  }
0x78: {  	s0 =	simm.s32 @!p0 $0x1  }
0x79: {  	_ =	swait.ge @!p0 [sflag:s0], s1  }
0x7a: {  	s1 =	ssub.s32 @!p0 $0x0, s1;
	[sflag:s0] =	ssyncset.done @!p0 $0x0  }
0x7b: {  	[sflag:s0] =	ssyncadd.s32 @!p0 s1  }
0x7c: {  	[bflag:$0x3] =	sbarrier.arrive $0xFFFF  }
0x7d: {  	_ =	shalt  }

// kernel: kernel.8.cloned.1.call-start
scs
__scs_entry_jumppad:
0x0: {  	(pc) =	sbr.rel $0x88, $3  }
0x1: {  	(tag) =	ssettag $0x0;
	lr =	simm.s32 $0x1  }
0x2: {  	[smem:$0x3F98] =	sst lr;
	_ =	strace $0xD0000000  }
0x3: {  	_ = 	snop  }
0x4: {  	_ = 	snop  }
0x5: {  	_ = 	snop  }
0x6: {  	_ = 	snop  }
0x7: {  	_ = 	snop  }
__scs_overlays_trampoline_lowered:
0x8: {  	[smem:$0x3FA7] =	sst s0  }
0x9: {  	[smem:$0x3FA8] =	sst s1  }
0xa: {  	[smem:$0x3FA9] =	sst s2  }
0xb: {  	[smem:$0x3FAA] =	sst s3  }
0xc: {  	[smem:$0x3FAB] =	sst s4  }
0xd: {  	[smem:$0x3FAC] =	sst s5  }
0xe: {  	[smem:$0x3FAD] =	sst s6  }
0xf: {  	[smem:$0x3FAE] =	sst s7  }
0x10: {  	[smem:$0x3FAF] =	sst s8  }
0x11: {  	[smem:$0x3FB0] =	sst s9;
	s0 =	simm.s32 @!p0 $0x0  }
0x12: {  	s1 =	sld [smem:$0x3F96];
	s0 =	simm.s32 @p0 $0x1  }
0x13: {  	[smem:$0x3FB1] =	sst s0;
	s0 =	simm.s32 @!p1 $0x0  }
0x14: {  	s2 =	sld [smem:$0x3F95];
	s0 =	simm.s32 @p1 $0x1  }
0x15: {  	[smem:$0x3FB2] =	sst s0;
	s0 =	simm.s32 @!p2 $0x0  }
0x16: {  	s3 =	sld [smem:$0x3FDB];
	s0 =	simm.s32 @p2 $0x1  }
0x17: {  	s4 =	simm.s32 $0x1BF5;
	[smem:$0x3FB4] =	sst s0  }
0x18: {  	s0 =	sld [smem:$0x3F97];
	_ =	swait.ge [sflag:s4], $0x0  }
0x19: {  	s7 =	sld [smem:$0x3F98]  }
0x1a: {  	s8 =	sadd.s32 $0xFFFFE003, lr  }
0x1b: {  	s9 =	sadd.s32 $0xFFFFFEF7, lr;
	s5 =	simm.s32 $0xFFFFFFFF;
	p2 =	slt.u32 s8, $0xFFFFF086  }
0x1c: {  	p1 =	slt.u32 s9, $0xF7A;
	s5 =	simm.s32 @!p2 $0x0  }
0x1d: {  	s5 =	simm.s32 @p1 $0x1;
	p0 =	seq.s32 s7, s2  }
0x1e: {  	s7 =	smul.u32 @!p0 $0xF7A, s2;
	p2 =	seq.s32 @!p0 s5, $0x0  }
0x1f: {  	s9 =	smul.u32 $0xF7A, s1;
	s8 =	simm.s32 @!p0 $0x1BF5;
	p2 =	por !p2, p0  }
0x20: {  	[sflag:s8] =	ssyncset.s32 @!p0 $0xFFFFF086;
	s6 =	sadd.s32 @!p0 s3, s7;
	s7 =	simm.s32 @!p0 $0x108  }
0x21: {  	s3 =	sadd.s32 s3, s9;
	s6 =	sadd.s32 @!p0 $0x88, s6;
	s7 =	simm.s32 @p2 $0x1082  }
0x22: {  	[simem:s7], [sflag:s8] =	dma.local @!p0 [hbm:s6], $0xF7A  }
0x23: {  	s9 =	sor.u32 $0xD0000000, s2;
	s6 =	simm.s32 $0x108;
	_ =	swait.ge @!p0 [sflag:s8], $0x0  }
0x24: {  	s3 =	sadd.s32 $0x88, s3;
	s6 =	simm.s32 @!p1 $0x1082;
	[sflag:s4] =	ssyncset.s32 $0xFFFFF086  }
0x25: {  	[simem:s6], [sflag:s4] =	dma.local [hbm:s3], $0xF7A  }
0x26: {  	[smem:$0x3F98] =	sst s1;
	(tag) =	ssettag s2;
	_ =	strace s9  }
0x27: {  	s1 =	sld [smem:$0x3FA8]  }
0x28: {  	s2 =	sld [smem:$0x3FA9]  }
0x29: {  	s4 =	sld [smem:$0x3FAB]  }
0x2a: {  	p0 =	seq.s32 s5, $0x0;
	s5 =	sld [smem:$0x3FAC]  }
0x2b: {  	s6 =	sld [smem:$0x3FAD]  }
0x2c: {  	s7 =	sld [smem:$0x3FAE]  }
0x2d: {  	s3 =	simm.s32 $0x108;
	s8 =	sld [smem:$0x3FAF]  }
0x2e: {  	s3 =	simm.s32 @!p0 $0x1082;
	s9 =	sld [smem:$0x3FB0]  }
0x2f: {  	lr =	sadd.s32 s0, s3;
	s0 =	sld [smem:$0x3FA7]  }
0x30: {  	s3 =	sld [smem:$0x3FAA]  }
0x31: {  	[smem:$0x3FB3] =	sst s10  }
0x32: {  	s10 =	sld [smem:$0x3FB1];
	_ =	sdelay $0x3  }
0x33: {  	p0 =	seq.s32 s10, $0x1;
	s10 =	sld [smem:$0x3FB3];
	_ =	sdelay $0x3  }
0x34: {  	[smem:$0x3FB3] =	sst s10  }
0x35: {  	s10 =	sld [smem:$0x3FB2];
	_ =	sdelay $0x3  }
0x36: {  	p1 =	seq.s32 s10, $0x1;
	s10 =	sld [smem:$0x3FB3];
	_ =	sdelay $0x3  }
0x37: {  	[smem:$0x3FB3] =	sst s10  }
0x38: {  	s10 =	sld [smem:$0x3FB4]  }
0x39: {  	_ = 	snop;
	(pc) =	sbr.ind lr, $3  }
0x3a: {  	_ = 	snop  }
0x3b: {  	_ = 	snop  }
0x3c: {  	p2 =	seq.s32 s10, $0x1;
	s10 =	sld [smem:$0x3FB3]  }
0x3d: {  	_ =	shalt  }
0x3e: {  	_ =	shalt  }
0x3f: {  	_ =	shalt  }
0x40: {  	_ =	shalt  }
0x41: {  	_ =	shalt  }
0x42: {  	_ =	shalt  }
0x43: {  	_ =	shalt  }
0x44: {  	_ =	shalt  }
0x45: {  	_ =	shalt  }
0x46: {  	_ =	shalt  }
0x47: {  	_ =	shalt  }
0x48: {  	_ =	shalt  }
0x49: {  	_ =	shalt  }
0x4a: {  	_ =	shalt  }
0x4b: {  	_ =	shalt  }
0x4c: {  	_ =	shalt  }
0x4d: {  	_ =	shalt  }
0x4e: {  	_ =	shalt  }
0x4f: {  	_ =	shalt  }
0x50: {  	_ =	shalt  }
0x51: {  	_ =	shalt  }
0x52: {  	_ =	shalt  }
0x53: {  	_ =	shalt  }
0x54: {  	_ =	shalt  }
0x55: {  	_ =	shalt  }
0x56: {  	_ =	shalt  }
0x57: {  	_ =	shalt  }
0x58: {  	_ =	shalt  }
0x59: {  	_ =	shalt  }
0x5a: {  	_ =	shalt  }
0x5b: {  	_ =	shalt  }
0x5c: {  	_ =	shalt  }
0x5d: {  	_ =	shalt  }
0x5e: {  	_ =	shalt  }
0x5f: {  	_ =	shalt  }
0x60: {  	_ =	shalt  }
0x61: {  	_ =	shalt  }
0x62: {  	_ =	shalt  }
0x63: {  	_ =	shalt  }
0x64: {  	_ =	shalt  }
0x65: {  	_ =	shalt  }
0x66: {  	_ =	shalt  }
0x67: {  	_ =	shalt  }
0x68: {  	_ =	shalt  }
0x69: {  	_ =	shalt  }
0x6a: {  	_ =	shalt  }
0x6b: {  	_ =	shalt  }
0x6c: {  	_ =	shalt  }
0x6d: {  	_ =	shalt  }
0x6e: {  	_ =	shalt  }
0x6f: {  	_ =	shalt  }
0x70: {  	_ =	shalt  }
0x71: {  	_ =	shalt  }
0x72: {  	_ =	shalt  }
0x73: {  	_ =	shalt  }
0x74: {  	_ =	shalt  }
0x75: {  	_ =	shalt  }
0x76: {  	_ =	shalt  }
0x77: {  	_ =	shalt  }
0x78: {  	_ =	shalt  }
0x79: {  	_ =	shalt  }
0x7a: {  	_ =	shalt  }
0x7b: {  	_ =	shalt  }
0x7c: {  	_ =	shalt  }
0x7d: {  	_ =	shalt  }
0x7e: {  	_ =	shalt  }
0x7f: {  	_ =	shalt  }
0x80: {  	_ =	shalt  }
0x81: {  	_ =	shalt  }
0x82: {  	_ =	shalt  }
0x83: {  	_ =	shalt  }
0x84: {  	_ =	shalt  }
0x85: {  	_ =	shalt  }
0x86: {  	_ =	shalt  }
0x87: {  	_ =	shalt  }
.Lfunc_end0:
.L_simem_size_0:
called_computation.1_lowered:
.L_overlay_start_0:
0x88: {  	s2 =	sld [smem:$0x3FD9]  }
0x89: {  	s3 =	sld [smem:$0x3FFE];
	_ =	sdelay $0x1  }
0x8a: {  	s1 =	srdreg.scid  }
0x8b: {  	s0 =	sand.u32 $0x1, s1  }
0x8c: {  	s14 =	sshll.u32 s0, $0xA;
	s2 =	sadd.s32 s3, s2  }
0x8d: {  	s2 =	sadd.s32 s2, s14  }
0x8e: {  	[smem:$0x3FBF] =	sst s2  }
0x8f: {  	_ = 	snop  }
0x90: {  	s2 =	sld [smem:$0x3FD0];
	_ =	sdelay $0x1  }
0x91: {  	s15 =	sld [smem:$0x3FC9]  }
0x92: {  	s5 =	simm.s32 $0xA;
	s6 =	simm.s32 $0x10;
	s4 =	sld [smem:$0x3FC5]  }
0x93: {  	[smem:s6], [sflag:s5] =	dma.local [hbm:s2], $0x1  }
0x94: {  	_ =	swait.eq [sflag:s5], $0x1  }
0x95: {  	[sflag:s5] =	ssyncset.done $0x0  }
0x96: {  	[sflag:s5] =	ssyncadd.s32 $0xFFFFFFFF  }
0x97: {  	s16 =	sld [smem:$0x11];
	(tm) =	ssettm $0x1  }
0x98: {  	s17 =	sld [smem:$0x3FFB];
	_ =	sdelay $0x3  }
0x99: {  	_ =	strace s17  }
0x9a: {  	s5 =	sld [smem:$0x3FFC];
	_ =	sdelay $0x3  }
0x9b: {  	_ =	strace s5  }
0x9c: {  	s5 =	sld [smem:$0x3FFD];
	_ =	sdelay $0x3  }
0x9d: {  	_ =	strace s5  }
0x9e: {  	_ =	strace $0x8FFFFFFF  }
0x9f: {  	s18 =	sld [smem:$0x3FDB];
	_ =	sdelay $0x1  }
0xa0: {  	s19 =	simm.s32 $_scs_section_size  }
0xa1: {  	s7 =	simm.s32 $_size__tile_overlayer_lowered;
	s8 =	simm.s32 $_tile_overlayer_lowered  }
0xa2: {  	s22 =	simm.s32 $0x1BFF;
	s21 =	sshll.u32 s8, $0x1;
	s5 =	sadd.s32 s19, s18  }
0xa3: {  	s9 =	simm.s32 $0x0;
	s20 =	sshll.u32 s7, $0x1;
	s7 =	sadd.s32 s21, s5  }
0xa4: {  	[timem:s9], [sflag:s22] =	dma.local [hbm:s7], s20  }
0xa5: {  	_ =	swait.ge [sflag:s22], s20  }
0xa6: {  	s6 =	ssub.s32 $0x0, s20;
	[sflag:s22] =	ssyncset.done $0x0  }
0xa7: {  	[sflag:s22] =	ssyncadd.s32 s6;
	_ =	sdelay $0x1  }
0xa8: {  	s23 =	simm.s32 $0x1B8B  }
0xa9: {  	_ =	swait.ge [sflag:s23], $0x1  }
0xaa: {  	[sflag:s23] =	ssyncset.done $0x0  }
0xab: {  	s25 =	simm.s32 $0x1B8E;
	s24 =	sld [smem:$0x3FFE];
	[sflag:s23] =	ssyncadd.s32 $0xFFFFFFFF  }
0xac: {  	s26 =	simm.s32 $execute0_lowered;
	[smem:$0x3FD2] =	sst s25  }
0xad: {  	s7 =	sshll.u32 s26, $0x1;
	_ =	strace $0x80000049;
	[dreg:$0x1] =	wrdreg $0xFFFFFFFF  }
0xae: {  	s28 =	simm.s32 $_size_execute0_lowered;
	s5 =	sadd.s32 s5, s7;
	[dreg:$0x0] =	wrdreg $0x0  }
0xaf: {  	s7 =	sshll.u32 s28, $0x1;
	[dreg:$0x2] =	wrdreg s5  }
0xb0: {  	[dreg:$0x3] =	wrdreg s7  }
0xb1: {  	[dreg:$0x4] =	wrdreg $0xC0  }
0xb2: {  	_ =	task [dreg:s9], $0x5FFFF  }
0xb3: {  	[dreg:$0x1] =	wrdreg $0xFFFFFFFF  }
0xb4: {  	[dreg:$0x0] =	wrdreg $0x60  }
0xb5: {  	[dreg:$0x2] =	wrdreg s15  }
0xb6: {  	[dreg:$0x3] =	wrdreg s4  }
0xb7: {  	[dreg:$0x4] =	wrdreg s24  }
0xb8: {  	[dreg:$0x5] =	wrdreg s16  }
0xb9: {  	[dreg:$0x6] =	wrdreg $0x9  }
0xba: {  	_ =	task.clear_ibuf [dreg:s9], $0x7FFFF;
	_ =	strace $0x90000049  }
0xbb: {  	s29 =	simm.s32 $0x9;
	_ =	strace $0x8000004B  }
0xbc: {  	_ =	swait.ge [sflag:s29], $0x1  }
0xbd: {  	[sflag:s29] =	ssyncadd.s32 $0xFFFFFFFF  }
0xbe: {  	_ =	strace $0x9000004B  }
0xbf: {  	_ =	sfence  }
0xc0: {  	s30 =	sld [smem:$0x0];
	_ =	sdelay $0x2  }
0xc1: {  	s31 =	sshll.u32 s1, $0xD;
	s1 =	sshrl.u32 s1, $0x2  }
0xc2: {  	s3 =	sand.u32 $0x4000, s31;
	s1 =	sadd.s32 s1, s30  }
0xc3: {  	s0 =	sor.u32 s3, s0;
	s1 =	sshll.u32 s1, $0x11  }
0xc4: {  	s0 =	sor.u32 s1, s0  }
0xc5: {  	s0 =	sadd.s32 $0x8F2B, s0  }
0xc6: {  	[sflag:s0] =	ssyncadd.remote.s32 $0x1  }
0xc7: {  	_ =	sfence.sel $0xFFFF  }
0xc8: {  	[dreg:$0x0] =	wrdreg $0xFFFFFFFF;
	(pc) =	sbr.abs _section_cstart, $3  }
0xc9: {  	[dreg:$0x1] =	wrdreg $0xFFFFFFFF  }
0xca: {  	_ =	task.clear_ibuf [dreg:s9], $0x2FFFF;
	_ =	strace $0x9FFFFFFF  }
0xcb: {  	(tm) =	ssettm $0x7FFFFFFF  }
tec
execute0_lowered:
.L_overlay_start_1:
0x0: {  	(tag) =	ssettag $0x1  }
0x1: {  	s7 =	rddreg [dreg:$0x0]  }
0x2: {  	s1 =	rddreg [dreg:$0x1]  }
0x3: {  	s4 =	rddreg [dreg:$0x2]  }
0x4: {  	s16 =	rddreg [dreg:$0x3]  }
0x5: {  	s0 =	rddreg [dreg:$0x4]  }
0x6: {  	s3 =	simm.s32 $0x0;
	s5 =	srdreg.scid;
	s2 =	stileid.u32  }
0x7: {  	s6 =	simm.s32 $0xA180;
	s14 =	sand.u32 $0x1, s5;
	s30 =	sshll.u32 s2, $0x1  }
0x8: {  	[smem:$0x7FF] =	sst s3;
	s4 =	sadd.s32 $0x1A00, s4;
	s5 =	sor.u32 s14, s30  }
0x9: {  	_ =	strace $0x8000004A;
	s8 =	smul.u32 $0x140, s5;
	s5 =	simm.s32 $0x2  }
0xa: {  	[tilespmem:s6], [sflag:$0x2] =	stream.linear.gather [hbm4b:s4+s3], $0x10, $0x38;
	[tilespmem:$0xA200] =	vst v63  }
0xb: {  	_ =	swait.ge [sflag:s5], $0x10;
	s17 =	smin.u32 s8, $0x25D0  }
0xc: {  	[sflag:s5] =	ssyncset.done $0x0;
	s8 =	sshrl.u32 s17, $0x3  }
0xd: {  	[sflag:s5] =	ssyncadd.s32 $0xFFFFFFF0;
	s7 =	sadd.s32 s7, s8  }
0xe: {  	[tilespmem:s3], [sflag:$0x2] =	stream.linear.gather [hbm4b:s7+s3], $0x140, $0x38;
	[tilespmem:$0xA200] =	vst v63  }
0xf: {  	_ =	swait.ge [sflag:s5], $0x140  }
0x10: {  	s9 =	simm.s32 $0x180;
	[sflag:s5] =	ssyncset.done $0x0  }
0x11: {  	s10 =	simm.s32 $0x1;
	s8 =	simm.s32 $0x50;
	[sflag:s5] =	ssyncadd.s32 $0xFFFFFEC0  }
0x12: {  	[tilespmem:s9], [sflag:$0x1] =	stream.indirect.gather [hbm4b:s1+s8], $0x80, s3, s8, $0xb8;
	[tilespmem:$0xA200] =	vst v63  }
0x13: {  	_ =	swait.ge [sflag:s10], $0x2800  }
0x14: {  	[sflag:s10] =	ssyncset.done $0x0  }
0x15: {  	s11 =	simm.s32 $0x2980;
	[sflag:s10] =	ssyncadd.s32 $0xFFFFD800  }
0x16: {  	[tilespmem:s11], [sflag:$0x1] =	stream.indirect.gather [hbm4b:s1+s8], $0x80, s8, s8, $0xb8;
	[tilespmem:$0xA200] =	vst v63  }
0x17: {  	_ =	swait.ge [sflag:s10], $0x2800  }
0x18: {  	s12 =	simm.s32 $0xA0;
	[sflag:s10] =	ssyncset.done $0x0  }
0x19: {  	s13 =	simm.s32 $0x5180;
	s18 =	ssub.s32 $0x2, s14;
	[sflag:s10] =	ssyncadd.s32 $0xFFFFD800  }
0x1a: {  	[tilespmem:s13], [sflag:$0x1] =	stream.indirect.gather [hbm4b:s1+s8], $0x80, s12, s8, $0xb8;
	[tilespmem:$0xA200] =	vst v63  }
0x1b: {  	s19 =	sshrl.u32 s18, $0x1;
	_ =	swait.ge [sflag:s10], $0x2800  }
0x1c: {  	s15 =	simm.s32 $0x7980;
	s18 =	ssub.s32 s18, s19;
	[sflag:s10] =	ssyncset.done $0x0  }
0x1d: {  	s14 =	simm.s32 $0xF0;
	s31 =	smax.u32 s18, $0x1;
	[sflag:s10] =	ssyncadd.s32 $0xFFFFD800  }
0x1e: {  	[tilespmem:s15], [sflag:$0x1] =	stream.indirect.gather [hbm4b:s1+s8], $0x80, s14, s8, $0xb8;
	[tilespmem:$0xA200] =	vst v63  }
0x1f: {  	p0 =	sne.s32 s31, $0x1;
	_ =	swait.ge [sflag:s10], $0x2800  }
.Ltmp0:
0x20: {  	s17 =	sshll.u32 s17, $0x4;
	[sflag:s10] =	ssyncset.done $0x0;
	(pc) =	sbr.rel @!p0 .LBB2_2-.Ltmp0, $4  }
0x21: {  	s16 =	sadd.s32 s16, s17;
	[sflag:s10] =	ssyncadd.s32 $0xFFFFD800  }
0x22: {  	[hbm4b:s16+s3] =	stream.linear.scatter [tilespmem:s9], [sflag:$0x2], $0xA000, $0x38;
	[tilespmem:$0xA200] =	vst v63  }
0x23: {  	_ =	swait.ge [sflag:s5], $0xA000  }
0x24: {  	s17 =	sadd.s32 $0xFFFFFFFF, s31;
	[sflag:s5] =	ssyncset.done $0x0  }
.LBB2_1:
0x25: {  	p0 =	sne.s32 s17, $0x1;
	s17 =	sadd.s32 $0xFFFFFFFF, s17;
	[sflag:s5] =	ssyncadd.s32 $0xFFFF6000  }
0x26: {  	[tilespmem:s6], [sflag:$0x2] =	stream.linear.gather [hbm4b:s4+s3], $0x10, $0x38;
	[tilespmem:$0xA200] =	vst v63  }
0x27: {  	_ =	swait.ge [sflag:s5], $0x10  }
0x28: {  	[sflag:s5] =	ssyncset.done $0x0  }
0x29: {  	[sflag:s5] =	ssyncadd.s32 $0xFFFFFFF0  }
0x2a: {  	[tilespmem:s3], [sflag:$0x2] =	stream.linear.gather [hbm4b:s7+s3], $0x140, $0x38;
	[tilespmem:$0xA200] =	vst v63  }
0x2b: {  	_ =	swait.ge [sflag:s5], $0x140  }
0x2c: {  	[sflag:s5] =	ssyncset.done $0x0  }
0x2d: {  	[sflag:s5] =	ssyncadd.s32 $0xFFFFFEC0  }
0x2e: {  	[tilespmem:s9], [sflag:$0x1] =	stream.indirect.gather [hbm4b:s1+s8], $0x80, s3, s8, $0xb8;
	[tilespmem:$0xA200] =	vst v63  }
0x2f: {  	_ =	swait.ge [sflag:s10], $0x2800  }
0x30: {  	[sflag:s10] =	ssyncset.done $0x0  }
0x31: {  	[sflag:s10] =	ssyncadd.s32 $0xFFFFD800  }
0x32: {  	[tilespmem:s11], [sflag:$0x1] =	stream.indirect.gather [hbm4b:s1+s8], $0x80, s8, s8, $0xb8;
	[tilespmem:$0xA200] =	vst v63  }
0x33: {  	_ =	swait.ge [sflag:s10], $0x2800  }
0x34: {  	[sflag:s10] =	ssyncset.done $0x0  }
0x35: {  	[sflag:s10] =	ssyncadd.s32 $0xFFFFD800  }
0x36: {  	[tilespmem:s13], [sflag:$0x1] =	stream.indirect.gather [hbm4b:s1+s8], $0x80, s12, s8, $0xb8;
	[tilespmem:$0xA200] =	vst v63  }
0x37: {  	_ =	swait.ge [sflag:s10], $0x2800  }
0x38: {  	[sflag:s10] =	ssyncset.done $0x0  }
0x39: {  	[sflag:s10] =	ssyncadd.s32 $0xFFFFD800  }
0x3a: {  	[tilespmem:s15], [sflag:$0x1] =	stream.indirect.gather [hbm4b:s1+s8], $0x80, s14, s8, $0xb8;
	[tilespmem:$0xA200] =	vst v63  }
0x3b: {  	_ =	swait.ge [sflag:s10], $0x2800  }
.Ltmp1:
0x3c: {  	[sflag:s10] =	ssyncset.done $0x0;
	(pc) =	sbr.rel @p0 .LBB2_1-.Ltmp1, $4  }
0x3d: {  	[sflag:s10] =	ssyncadd.s32 $0xFFFFD800  }
0x3e: {  	[hbm4b:s16+s3] =	stream.linear.scatter [tilespmem:s9], [sflag:$0x2], $0xA000, $0x38;
	[tilespmem:$0xA200] =	vst v63  }
0x3f: {  	_ =	swait.ge [sflag:s5], $0xA000  }
0x40: {  	[sflag:s5] =	ssyncset.done $0x0  }
.LBB2_2:
0x41: {  	[sflag:s5] =	ssyncadd.s32 $0xFFFF6000  }
0x42: {  	_ =	sfence.sel $0x180000  }
0x43: {  	[bflag:$0x0] =	sbarrier.arrive $0xFFFF  }
0x44: {  	p0 =	sne.s32 s2, $0x0;
	_ =	strace $0x9000004A  }
0x45: {  	s0 =	sadd.s32 @!p0 $0x100000, s0;
	[bflag:$0x2] =	sbarrier.arrive $0xFFFF  }
0x46: {  	[sflag:s0] =	ssyncadd.tile.s32 @!p0 $0x1;
	_ =	shalt  }
.Lfunc_end2:
_tile_overlayer_lowered:
.L_overlay_start_2:
0x47: {  	(tag) =	ssettag $0x2  }
0x48: {  	s0 =	rddreg [dreg:$0x0];
	s2 =	stileid.u32  }
0x49: {  	s1 =	rddreg [dreg:$0x1];
	p0 =	sne.s32 s2, $0x0  }
0x4a: {  	s3 =	rddreg [dreg:$0x2];
	[bflag:$0x3] =	sbarrier.arrive $0xFFFF;
	s2 =	simm.s32 @!p0 $0x1C02  }
0x4b: {  	[timem:s3], [sflag:s2] =	dma.local @!p0 [hbm:s0], s1  }
0x4c: {  	s0 =	simm.s32 @!p0 $0x2  }
0x4d: {  	_ =	swait.ge @!p0 [sflag:s0], s1  }
0x4e: {  	s1 =	ssub.s32 @!p0 $0x0, s1;
	[sflag:s0] =	ssyncset.done @!p0 $0x0  }
0x4f: {  	[sflag:s0] =	ssyncadd.s32 @!p0 s1  }
0x50: {  	[bflag:$0x3] =	sbarrier.arrive $0xFFFF  }
0x51: {  	_ =	shalt  }

</sc_bundles>
